<compile_context>
chip_gen: v7x
topology: tpu7x:2x2x1
jax: 0.10.2.dev20260603
libtpu: 0.0.44.dev20260713+nightly
codegen_flags: <defaults>
</compile_context>

<pallas_src>
import jax
import jax.numpy as jnp
from jax import lax
from jax.experimental import pallas as pl
from jax.experimental.pallas import tpu as pltpu
from jax.experimental.pallas import tpu_sc as plsc

B, P, F = 16384, 676, 26
NC, NS, L = 2, 16, 16
NW = NC * NS
SB = B
ROWS_W = SB // NW
RWS = 16
NCH = ROWS_W // RWS
NFULL = (P // L) * L - L
TAIL = P - L
TAB = 688


def _sc_body(pi_hbm, pj_hbm, d_hbm, lg_hbm, out_hbm, tab,
             pib0, pjb0, db0, ob0, pib1, pjb1, db1, ob1,
             si0, si1, so0, so1):
    pltpu.sync_copy(lg_hbm, tab)

    @plsc.parallel_loop(0, TAB, step=L)
    def _(t):
        sl = pl.ds(t, L)
        tab[sl] = 1.0 / (1.0 + jnp.exp(-tab[sl]))

    wid = lax.axis_index("s") * NC + lax.axis_index("c")
    base = wid * ROWS_W

    ins = ((pib0, pjb0, db0, si0), (pib1, pjb1, db1, si1))
    outs = ((ob0, so0), (ob1, so1))

    def start_in(b, c):
        r0 = base + c * RWS
        pib, pjb, db, sem = ins[b]
        pltpu.async_copy(pi_hbm.at[pl.ds(r0, RWS)], pib, sem)
        pltpu.async_copy(pj_hbm.at[pl.ds(r0, RWS)], pjb, sem)
        pltpu.async_copy(d_hbm.at[pl.ds(r0, RWS)], db, sem)

    def wait_in(b):
        pib, pjb, db, sem = ins[b]
        pltpu.make_async_copy(pi_hbm.at[pl.ds(0, RWS)], pib, sem).wait()
        pltpu.make_async_copy(pj_hbm.at[pl.ds(0, RWS)], pjb, sem).wait()
        pltpu.make_async_copy(d_hbm.at[pl.ds(0, RWS)], db, sem).wait()

    def start_out(b, c):
        r0 = base + c * RWS
        ob, sem = outs[b]
        pltpu.async_copy(ob, out_hbm.at[pl.ds(r0, RWS)], sem)

    def wait_out(b):
        ob, sem = outs[b]
        pltpu.make_async_copy(ob, out_hbm.at[pl.ds(0, RWS)], sem).wait()

    def compute(b):
        pib, pjb, db, _ = ins[b]
        ob, _ = outs[b]

        def row(r, carry):
            def cell(i):
                sl = pl.ds(i, L)
                idx = pib[r, sl] * F + pjb[r, sl]
                g = plsc.load_gather(tab, [idx])
                ob[r, sl] = g * jnp.exp(-db[r, sl])

            loop = plsc.parallel_loop(0, NFULL + L, step=L, unroll=14)
            loop(cell)
            cell(TAIL)
            return carry

        lax.fori_loop(0, RWS, row, 0)

    start_in(0, 0)

    def group(gg, carry):
        for b in range(2):
            c = gg * 2 + b

            @pl.when(c + 1 < NCH)
            def _():
                start_in(1 - b, c + 1)

            wait_in(b)

            @pl.when(gg > 0)
            def _():
                wait_out(b)

            compute(b)
            start_out(b, c)
        return carry

    lax.fori_loop(0, NCH // 2, group, 0)
    wait_out(0)
    wait_out(1)


@jax.jit
def kernel(pos_i, pos_j, distance, logits):
    pi = pos_i.astype(jnp.int32)
    pj = pos_j.astype(jnp.int32)
    lg = jnp.pad(logits.reshape(F * F), (0, TAB - F * F))

    mesh = plsc.VectorSubcoreMesh(
        core_axis_name="c", subcore_axis_name="s", num_cores=NC, num_subcores=NS
    )
    call = pl.kernel(
        _sc_body,
        out_type=jax.ShapeDtypeStruct((SB, P), jnp.float32),
        mesh=mesh,
        scratch_types=[
            pltpu.VMEM((TAB,), jnp.float32),
            pltpu.VMEM((RWS, P), jnp.int32),
            pltpu.VMEM((RWS, P), jnp.int32),
            pltpu.VMEM((RWS, P), jnp.float32),
            pltpu.VMEM((RWS, P), jnp.float32),
            pltpu.VMEM((RWS, P), jnp.int32),
            pltpu.VMEM((RWS, P), jnp.int32),
            pltpu.VMEM((RWS, P), jnp.float32),
            pltpu.VMEM((RWS, P), jnp.float32),
            pltpu.SemaphoreType.DMA,
            pltpu.SemaphoreType.DMA,
            pltpu.SemaphoreType.DMA,
            pltpu.SemaphoreType.DMA,
        ],
        compiler_params=pltpu.CompilerParams(needs_layout_passes=False),
    )
    return call(pi, pj, distance, lg)

# --- scband reference (transcript-rebuilt; emitter-appended) ---
"""Pipeline reference for scband-learnable-complementarity-55439437856999 (READ-ONLY COPY).

The authoritative reference and input builder live on the scoring server;
editing this copy changes nothing except your own understanding.
"""

import jax, jax.numpy as jnp
import numpy as np

B, P, F = 16384, 676, 26

def setup_inputs(seed: int = 0) -> dict:
    key = jax.random.key(seed)
    k1, k2, k3 = jax.random.split(key, 3)
    pos_i = jax.random.randint(k1, (B, P), 0, F, dtype=jnp.int64 if jax.config.jax_enable_x64 else jnp.int32)
    pos_j = jax.random.randint(k2, (B, P), 0, F, dtype=jnp.int64 if jax.config.jax_enable_x64 else jnp.int32)
    distance = jax.random.uniform(k3, (B, P), dtype=jnp.float32)
    init_matrix = np.full((F, F), 0.5, dtype=np.float32)
    init_clamped = np.clip(init_matrix, 0.01, 0.99)
    logits = jnp.asarray(np.log(init_clamped / (1.0 - init_clamped)), dtype=jnp.float32)
    return {"pos_i": pos_i, "pos_j": pos_j, "distance": distance, "logits": logits}

def reference(pos_i, pos_j, distance, logits):
    # sigmoid(logits)[pos_i, pos_j] * exp(-distance)
    probs = jax.nn.sigmoid(logits)
    gathered = probs[pos_i, pos_j]
    return gathered * jnp.exp(-distance)

if __name__ == "__main__":
    import jax
    _d = setup_inputs()
    print(jax.jit(kernel)(*tuple(_d.values())))

</pallas_src>

<mosaic_0001>
#map = affine_map<(d0, d1) -> (0, 0)>
#map1 = affine_map<(d0, d1) -> (0)>
module attributes {stable_mosaic.version = 14 : i64} {
  func.func @_sc_body(%arg0: i32, %arg1: i32, %arg2: memref<16384x676xi32, #tpu.memory_space<hbm>>, %arg3: memref<16384x676xi32, #tpu.memory_space<hbm>>, %arg4: memref<16384x676xf32, #tpu.memory_space<hbm>>, %arg5: memref<688xf32, #tpu.memory_space<hbm>>, %arg6: memref<16384x676xf32, #tpu.memory_space<hbm>>, %arg7: memref<688xf32, #tpu.memory_space<vmem>>, %arg8: memref<16x676xi32, #tpu.memory_space<vmem>>, %arg9: memref<16x676xi32, #tpu.memory_space<vmem>>, %arg10: memref<16x676xf32, #tpu.memory_space<vmem>>, %arg11: memref<16x676xf32, #tpu.memory_space<vmem>>, %arg12: memref<16x676xi32, #tpu.memory_space<vmem>>, %arg13: memref<16x676xi32, #tpu.memory_space<vmem>>, %arg14: memref<16x676xf32, #tpu.memory_space<vmem>>, %arg15: memref<16x676xf32, #tpu.memory_space<vmem>>, %arg16: memref<!tpu.dma_semaphore, #tpu.memory_space<semaphore_mem>>, %arg17: memref<!tpu.dma_semaphore, #tpu.memory_space<semaphore_mem>>, %arg18: memref<!tpu.dma_semaphore, #tpu.memory_space<semaphore_mem>>, %arg19: memref<!tpu.dma_semaphore, #tpu.memory_space<semaphore_mem>>) attributes {dimension_semantics = [#tpu.dimension_semantics<core_parallel>, #tpu.dimension_semantics<subcore_parallel>], iteration_bounds = array<i64: 2, 16>, scalar_prefetch = 0 : i64, scratch_operands = 13 : i64, tpu.core_type = #tpu.core_type<sc_vector_subcore>, window_params = [{transform_indices = #map}, {transform_indices = #map}, {transform_indices = #map}, {transform_indices = #map1}, {transform_indices = #map}]} {
    "tpu.region"() ({
      %run_scoped3A = tpu.sem_alloc : memref<!tpu.dma_semaphore, #tpu.memory_space<semaphore_mem>>
      tpu.enqueue_dma source(%arg5 : memref<688xf32, #tpu.memory_space<hbm>>) target(%arg7 : memref<688xf32, #tpu.memory_space<vmem>>) target_semaphore(%run_scoped3A : memref<!tpu.dma_semaphore, #tpu.memory_space<semaphore_mem>>)
      tpu.wait_dma2 semaphore(%run_scoped3A : memref<!tpu.dma_semaphore, #tpu.memory_space<semaphore_mem>>) src(%arg5 : memref<688xf32, #tpu.memory_space<hbm>>) dst(%arg7 : memref<688xf32, #tpu.memory_space<vmem>>)
      tpu.yield
    }) : () -> ()
    %parallel_loop3A = arith.constant 0 : i32
    %parallel_loop3A_0 = arith.constant 688 : i32
    %parallel_loop3A_1 = arith.constant 16 : i32
    scf.for %parallel_loop3A_34 = %parallel_loop3A to %parallel_loop3A_0 step %parallel_loop3A_1  : i32 {
      %parallel_loop3A_35 = arith.index_cast %parallel_loop3A_34 : i32 to index
      %parallel_loop3A_36 = tpu.vector_load %arg7[%parallel_loop3A_35] {strides = array<i32>} : memref<688xf32, #tpu.memory_space<vmem>>, vector<16xf32>,
      %parallel_loop3A_37 = arith.constant 0.000000e+00 : f32
      %parallel_loop3A_38 = vector.broadcast %parallel_loop3A_37 : f32 to vector<16xf32>
      %parallel_loop3A_39 = arith.subf %parallel_loop3A_38, %parallel_loop3A_36 : vector<16xf32>
      %parallel_loop3A_40 = math.exp %parallel_loop3A_39 : vector<16xf32>
      %parallel_loop3A_41 = arith.constant 1.000000e+00 : f32
      %parallel_loop3A_42 = vector.broadcast %parallel_loop3A_41 : f32 to vector<16xf32>
      %parallel_loop3A_43 = arith.addf %parallel_loop3A_42, %parallel_loop3A_40 : vector<16xf32>
      %parallel_loop3A_44 = arith.constant 1.000000e+00 : f32
      %parallel_loop3A_45 = vector.broadcast %parallel_loop3A_44 : f32 to vector<16xf32>
      %parallel_loop3A_46 = arith.divf %parallel_loop3A_45, %parallel_loop3A_43 : vector<16xf32>
      %parallel_loop3A_47 = arith.index_cast %parallel_loop3A_34 : i32 to index
      %parallel_loop3A_48 = tpu.vector_load %arg7[%parallel_loop3A_47] {strides = array<i32>} : memref<688xf32, #tpu.memory_space<vmem>>, vector<16xf32>,
      tpu.vector_store %arg7[%parallel_loop3A_47], %parallel_loop3A_46 {strides = array<i32>} : memref<688xf32, #tpu.memory_space<vmem>>, vector<16xf32>,
    } {sc.loop_unroll_factor = 1 : i64, sc.parallel_access}
    %mul3A = arith.constant 2 : i32
    %mul3A_2 = arith.muli %arg1, %mul3A : i32
    %add3A = arith.addi %mul3A_2, %arg0 : i32
    %mul3A_3 = arith.constant 512 : i32
    %mul3A_4 = arith.muli %add3A, %mul3A_3 : i32
    %add3A_5 = arith.constant 0 : i32
    %add3A_6 = arith.addi %mul3A_4, %add3A_5 : i32
    %dma_start3A = arith.constant 0 : i32
    %dma_start3A_7 = tpu.memref_slice %arg2[%add3A_6, %dma_start3A] : memref<16384x676xi32, #tpu.memory_space<hbm>> -> memref<16x676xi32, #tpu.memory_space<hbm>>
    %dma_start3A_8 = arith.constant 0 : i32
    %dma_start3A_9 = tpu.memref_slice %arg2[%add3A_6, %dma_start3A_8] : memref<16384x676xi32, #tpu.memory_space<hbm>> -> memref<16x676xi32, #tpu.memory_space<hbm>>
    tpu.enqueue_dma source(%dma_start3A_9 : memref<16x676xi32, #tpu.memory_space<hbm>>) target(%arg8 : memref<16x676xi32, #tpu.memory_space<vmem>>) target_semaphore(%arg16 : memref<!tpu.dma_semaphore, #tpu.memory_space<semaphore_mem>>)
    %dma_start3A_10 = arith.constant 0 : i32
    %dma_start3A_11 = tpu.memref_slice %arg3[%add3A_6, %dma_start3A_10] : memref<16384x676xi32, #tpu.memory_space<hbm>> -> memref<16x676xi32, #tpu.memory_space<hbm>>
    %dma_start3A_12 = arith.constant 0 : i32
    %dma_start3A_13 = tpu.memref_slice %arg3[%add3A_6, %dma_start3A_12] : memref<16384x676xi32, #tpu.memory_space<hbm>> -> memref<16x676xi32, #tpu.memory_space<hbm>>
    tpu.enqueue_dma source(%dma_start3A_13 : memref<16x676xi32, #tpu.memory_space<hbm>>) target(%arg9 : memref<16x676xi32, #tpu.memory_space<vmem>>) target_semaphore(%arg16 : memref<!tpu.dma_semaphore, #tpu.memory_space<semaphore_mem>>)
    %dma_start3A_14 = arith.constant 0 : i32
    %dma_start3A_15 = tpu.memref_slice %arg4[%add3A_6, %dma_start3A_14] : memref<16384x676xf32, #tpu.memory_space<hbm>> -> memref<16x676xf32, #tpu.memory_space<hbm>>
    %dma_start3A_16 = arith.constant 0 : i32
    %dma_start3A_17 = tpu.memref_slice %arg4[%add3A_6, %dma_start3A_16] : memref<16384x676xf32, #tpu.memory_space<hbm>> -> memref<16x676xf32, #tpu.memory_space<hbm>>
    tpu.enqueue_dma source(%dma_start3A_17 : memref<16x676xf32, #tpu.memory_space<hbm>>) target(%arg10 : memref<16x676xf32, #tpu.memory_space<vmem>>) target_semaphore(%arg16 : memref<!tpu.dma_semaphore, #tpu.memory_space<semaphore_mem>>)
    %scan3A = arith.constant 0 : i32
    %scan3A_18 = arith.constant 0 : i32
    %scan3A_19 = arith.constant 16 : i32
    %scan3A_20 = arith.addi %scan3A_18, %scan3A_19 : i32
    %scan3A_21 = arith.constant 1 : i32
    scf.for %scan3A_34 = %scan3A_18 to %scan3A_20 step %scan3A_21  : i32 {
      %mul3A_35 = arith.constant 2 : i32
      %mul3A_36 = arith.muli %scan3A_34, %mul3A_35 : i32
      %add3A_37 = arith.constant 0 : i32
      %add3A_38 = arith.addi %mul3A_36, %add3A_37 : i32
      %add3A_39 = arith.constant 1 : i32
      %add3A_40 = arith.addi %add3A_38, %add3A_39 : i32
      %lt3A = arith.constant 32 : i32
      %lt3A_41 = arith.cmpi slt, %add3A_40, %lt3A : i32
      %convert_element_type3A = arith.extui %lt3A_41 : i1 to i32
      %cond3A = arith.constant 0 : i32
      %cond3A_42 = arith.cmpi ne, %convert_element_type3A, %cond3A : i32
      scf.if %cond3A_42 {
        %add3A_125 = arith.constant 1 : i32
        %add3A_126 = arith.addi %add3A_38, %add3A_125 : i32
        %mul3A_127 = arith.constant 16 : i32
        %mul3A_128 = arith.muli %add3A_126, %mul3A_127 : i32
        %add3A_129 = arith.addi %mul3A_4, %mul3A_128 : i32
        %dma_start3A_130 = arith.constant 0 : i32
        %dma_start3A_131 = tpu.memref_slice %arg2[%add3A_129, %dma_start3A_130] : memref<16384x676xi32, #tpu.memory_space<hbm>> -> memref<16x676xi32, #tpu.memory_space<hbm>>
        %dma_start3A_132 = arith.constant 0 : i32
        %dma_start3A_133 = tpu.memref_slice %arg2[%add3A_129, %dma_start3A_132] : memref<16384x676xi32, #tpu.memory_space<hbm>> -> memref<16x676xi32, #tpu.memory_space<hbm>>
        tpu.enqueue_dma source(%dma_start3A_133 : memref<16x676xi32, #tpu.memory_space<hbm>>) target(%arg12 : memref<16x676xi32, #tpu.memory_space<vmem>>) target_semaphore(%arg17 : memref<!tpu.dma_semaphore, #tpu.memory_space<semaphore_mem>>)
        %dma_start3A_134 = arith.constant 0 : i32
        %dma_start3A_135 = tpu.memref_slice %arg3[%add3A_129, %dma_start3A_134] : memref<16384x676xi32, #tpu.memory_space<hbm>> -> memref<16x676xi32, #tpu.memory_space<hbm>>
        %dma_start3A_136 = arith.constant 0 : i32
        %dma_start3A_137 = tpu.memref_slice %arg3[%add3A_129, %dma_start3A_136] : memref<16384x676xi32, #tpu.memory_space<hbm>> -> memref<16x676xi32, #tpu.memory_space<hbm>>
        tpu.enqueue_dma source(%dma_start3A_137 : memref<16x676xi32, #tpu.memory_space<hbm>>) target(%arg13 : memref<16x676xi32, #tpu.memory_space<vmem>>) target_semaphore(%arg17 : memref<!tpu.dma_semaphore, #tpu.memory_space<semaphore_mem>>)
        %dma_start3A_138 = arith.constant 0 : i32
        %dma_start3A_139 = tpu.memref_slice %arg4[%add3A_129, %dma_start3A_138] : memref<16384x676xf32, #tpu.memory_space<hbm>> -> memref<16x676xf32, #tpu.memory_space<hbm>>
        %dma_start3A_140 = arith.constant 0 : i32
        %dma_start3A_141 = tpu.memref_slice %arg4[%add3A_129, %dma_start3A_140] : memref<16384x676xf32, #tpu.memory_space<hbm>> -> memref<16x676xf32, #tpu.memory_space<hbm>>
        tpu.enqueue_dma source(%dma_start3A_141 : memref<16x676xf32, #tpu.memory_space<hbm>>) target(%arg14 : memref<16x676xf32, #tpu.memory_space<vmem>>) target_semaphore(%arg17 : memref<!tpu.dma_semaphore, #tpu.memory_space<semaphore_mem>>)
      } else {
      }
      %dma_wait3A_43 = arith.constant 0 : i32
      %dma_wait3A_44 = arith.constant 0 : i32
      %dma_wait3A_45 = tpu.memref_slice %arg2[%dma_wait3A_43, %dma_wait3A_44] : memref<16384x676xi32, #tpu.memory_space<hbm>> -> memref<16x676xi32, #tpu.memory_space<hbm>>
      %dma_wait3A_46 = arith.constant 0 : i32
      %dma_wait3A_47 = arith.constant 0 : i32
      %dma_wait3A_48 = tpu.memref_slice %arg2[%dma_wait3A_46, %dma_wait3A_47] : memref<16384x676xi32, #tpu.memory_space<hbm>> -> memref<16x676xi32, #tpu.memory_space<hbm>>
      tpu.wait_dma2 semaphore(%arg16 : memref<!tpu.dma_semaphore, #tpu.memory_space<semaphore_mem>>) src(%dma_wait3A_48 : memref<16x676xi32, #tpu.memory_space<hbm>>) dst(%arg8 : memref<16x676xi32, #tpu.memory_space<vmem>>)
      %dma_wait3A_49 = arith.constant 0 : i32
      %dma_wait3A_50 = arith.constant 0 : i32
      %dma_wait3A_51 = tpu.memref_slice %arg3[%dma_wait3A_49, %dma_wait3A_50] : memref<16384x676xi32, #tpu.memory_space<hbm>> -> memref<16x676xi32, #tpu.memory_space<hbm>>
      %dma_wait3A_52 = arith.constant 0 : i32
      %dma_wait3A_53 = arith.constant 0 : i32
      %dma_wait3A_54 = tpu.memref_slice %arg3[%dma_wait3A_52, %dma_wait3A_53] : memref<16384x676xi32, #tpu.memory_space<hbm>> -> memref<16x676xi32, #tpu.memory_space<hbm>>
      tpu.wait_dma2 semaphore(%arg16 : memref<!tpu.dma_semaphore, #tpu.memory_space<semaphore_mem>>) src(%dma_wait3A_54 : memref<16x676xi32, #tpu.memory_space<hbm>>) dst(%arg9 : memref<16x676xi32, #tpu.memory_space<vmem>>)
      %dma_wait3A_55 = arith.constant 0 : i32
      %dma_wait3A_56 = arith.constant 0 : i32
      %dma_wait3A_57 = tpu.memref_slice %arg4[%dma_wait3A_55, %dma_wait3A_56] : memref<16384x676xf32, #tpu.memory_space<hbm>> -> memref<16x676xf32, #tpu.memory_space<hbm>>
      %dma_wait3A_58 = arith.constant 0 : i32
      %dma_wait3A_59 = arith.constant 0 : i32
      %dma_wait3A_60 = tpu.memref_slice %arg4[%dma_wait3A_58, %dma_wait3A_59] : memref<16384x676xf32, #tpu.memory_space<hbm>> -> memref<16x676xf32, #tpu.memory_space<hbm>>
      tpu.wait_dma2 semaphore(%arg16 : memref<!tpu.dma_semaphore, #tpu.memory_space<semaphore_mem>>) src(%dma_wait3A_60 : memref<16x676xf32, #tpu.memory_space<hbm>>) dst(%arg10 : memref<16x676xf32, #tpu.memory_space<vmem>>)
      %gt3A = arith.constant 0 : i32
      %gt3A_61 = arith.cmpi sgt, %scan3A_34, %gt3A : i32
      %convert_element_type3A_62 = arith.extui %gt3A_61 : i1 to i32
      %cond3A_63 = arith.constant 0 : i32
      %cond3A_64 = arith.cmpi ne, %convert_element_type3A_62, %cond3A_63 : i32
      scf.if %cond3A_64 {
        %dma_wait3A_125 = arith.constant 0 : i32
        %dma_wait3A_126 = arith.constant 0 : i32
        %dma_wait3A_127 = tpu.memref_slice %arg6[%dma_wait3A_125, %dma_wait3A_126] : memref<16384x676xf32, #tpu.memory_space<hbm>> -> memref<16x676xf32, #tpu.memory_space<hbm>>
        %dma_wait3A_128 = arith.constant 0 : i32
        %dma_wait3A_129 = arith.constant 0 : i32
        %dma_wait3A_130 = tpu.memref_slice %arg6[%dma_wait3A_128, %dma_wait3A_129] : memref<16384x676xf32, #tpu.memory_space<hbm>> -> memref<16x676xf32, #tpu.memory_space<hbm>>
        tpu.wait_dma2 semaphore(%arg18 : memref<!tpu.dma_semaphore, #tpu.memory_space<semaphore_mem>>) src(%arg11 : memref<16x676xf32, #tpu.memory_space<vmem>>) dst(%dma_wait3A_130 : memref<16x676xf32, #tpu.memory_space<hbm>>)
      } else {
      }
      %scan3A_65 = arith.constant 0 : i32
      %scan3A_66 = arith.constant 0 : i32
      %scan3A_67 = arith.constant 16 : i32
      %scan3A_68 = arith.addi %scan3A_66, %scan3A_67 : i32
      %scan3A_69 = arith.constant 1 : i32
      scf.for %scan3A_125 = %scan3A_66 to %scan3A_68 step %scan3A_69  : i32 {
        %parallel_loop3A_126 = arith.constant 0 : i32
        %parallel_loop3A_127 = arith.constant 672 : i32
        %parallel_loop3A_128 = arith.constant 16 : i32
        scf.for %parallel_loop3A_146 = %parallel_loop3A_126 to %parallel_loop3A_127 step %parallel_loop3A_128  : i32 {
          %parallel_loop3A_147 = arith.index_cast %scan3A_125 : i32 to index
          %parallel_loop3A_148 = arith.index_cast %parallel_loop3A_146 : i32 to index
          %parallel_loop3A_149 = tpu.vector_load %arg8[%parallel_loop3A_147, %parallel_loop3A_148] {strides = array<i32>} : memref<16x676xi32, #tpu.memory_space<vmem>>, vector<16xi32>,
          %parallel_loop3A_150 = arith.constant 26 : i32
          %parallel_loop3A_151 = vector.broadcast %parallel_loop3A_150 : i32 to vector<16xi32>
          %parallel_loop3A_152 = arith.muli %parallel_loop3A_149, %parallel_loop3A_151 : vector<16xi32>
          %parallel_loop3A_153 = arith.index_cast %scan3A_125 : i32 to index
          %parallel_loop3A_154 = arith.index_cast %parallel_loop3A_146 : i32 to index
          %parallel_loop3A_155 = tpu.vector_load %arg9[%parallel_loop3A_153, %parallel_loop3A_154] {strides = array<i32>} : memref<16x676xi32, #tpu.memory_space<vmem>>, vector<16xi32>,
          %parallel_loop3A_156 = arith.addi %parallel_loop3A_152, %parallel_loop3A_155 : vector<16xi32>
          %parallel_loop3A_157 = tpu.vector_load_idx %arg7[%parallel_loop3A_156] : memref<688xf32, #tpu.memory_space<vmem>>[vector<16xi32>], vector<16xf32>,
          %parallel_loop3A_158 = arith.index_cast %scan3A_125 : i32 to index
          %parallel_loop3A_159 = arith.index_cast %parallel_loop3A_146 : i32 to index
          %parallel_loop3A_160 = tpu.vector_load %arg10[%parallel_loop3A_158, %parallel_loop3A_159] {strides = array<i32>} : memref<16x676xf32, #tpu.memory_space<vmem>>, vector<16xf32>,
          %parallel_loop3A_161 = arith.constant 0.000000e+00 : f32
          %parallel_loop3A_162 = vector.broadcast %parallel_loop3A_161 : f32 to vector<16xf32>
          %parallel_loop3A_163 = arith.subf %parallel_loop3A_162, %parallel_loop3A_160 : vector<16xf32>
          %parallel_loop3A_164 = math.exp %parallel_loop3A_163 : vector<16xf32>
          %parallel_loop3A_165 = arith.mulf %parallel_loop3A_157, %parallel_loop3A_164 : vector<16xf32>
          %parallel_loop3A_166 = arith.index_cast %scan3A_125 : i32 to index
          %parallel_loop3A_167 = arith.index_cast %parallel_loop3A_146 : i32 to index
          %parallel_loop3A_168 = tpu.vector_load %arg11[%parallel_loop3A_166, %parallel_loop3A_167] {strides = array<i32>} : memref<16x676xf32, #tpu.memory_space<vmem>>, vector<16xf32>,
          tpu.vector_store %arg11[%parallel_loop3A_166, %parallel_loop3A_167], %parallel_loop3A_165 {strides = array<i32>} : memref<16x676xf32, #tpu.memory_space<vmem>>, vector<16xf32>,
        } {sc.loop_unroll_factor = 14 : i64, sc.parallel_access}
        %get3A = arith.index_cast %scan3A_125 : i32 to index
        %get3A_129 = arith.constant 660 : index
        %get3A_130 = tpu.vector_load %arg8[%get3A, %get3A_129] {strides = array<i32>} : memref<16x676xi32, #tpu.memory_space<vmem>>, vector<16xi32>,
        %mul3A_131 = arith.constant 26 : i32
        %mul3A_132 = vector.broadcast %mul3A_131 : i32 to vector<16xi32>
        %mul3A_133 = arith.muli %get3A_130, %mul3A_132 : vector<16xi32>
        %get3A_134 = arith.index_cast %scan3A_125 : i32 to index
        %get3A_135 = arith.constant 660 : index
        %get3A_136 = tpu.vector_load %arg9[%get3A_134, %get3A_135] {strides = array<i32>} : memref<16x676xi32, #tpu.memory_space<vmem>>, vector<16xi32>,
        %add3A_137 = arith.addi %mul3A_133, %get3A_136 : vector<16xi32>
        %gather3A = tpu.vector_load_idx %arg7[%add3A_137] : memref<688xf32, #tpu.memory_space<vmem>>[vector<16xi32>], vector<16xf32>,
        %get3A_138 = arith.index_cast %scan3A_125 : i32 to index
        %get3A_139 = arith.constant 660 : index
        %get3A_140 = tpu.vector_load %arg10[%get3A_138, %get3A_139] {strides = array<i32>} : memref<16x676xf32, #tpu.memory_space<vmem>>, vector<16xf32>,
        %neg3A = arith.constant 0.000000e+00 : f32
        %neg3A_141 = vector.broadcast %neg3A : f32 to vector<16xf32>
        %neg3A_142 = arith.subf %neg3A_141, %get3A_140 : vector<16xf32>
        %exp3A = math.exp %neg3A_142 : vector<16xf32>
        %mul3A_143 = arith.mulf %gather3A, %exp3A : vector<16xf32>
        %swap3A = arith.index_cast %scan3A_125 : i32 to index
        %swap3A_144 = arith.constant 660 : index
        %swap3A_145 = tpu.vector_load %arg11[%swap3A, %swap3A_144] {strides = array<i32>} : memref<16x676xf32, #tpu.memory_space<vmem>>, vector<16xf32>,
        tpu.vector_store %arg11[%swap3A, %swap3A_144], %mul3A_143 {strides = array<i32>} : memref<16x676xf32, #tpu.memory_space<vmem>>, vector<16xf32>,
      }
      %scan3A_70 = arith.constant 16 : i32
      %mul3A_71 = arith.constant 16 : i32
      %mul3A_72 = arith.muli %add3A_38, %mul3A_71 : i32
      %add3A_73 = arith.addi %mul3A_4, %mul3A_72 : i32
      %dma_start3A_74 = arith.constant 0 : i32
      %dma_start3A_75 = tpu.memref_slice %arg6[%add3A_73, %dma_start3A_74] : memref<16384x676xf32, #tpu.memory_space<hbm>> -> memref<16x676xf32, #tpu.memory_space<hbm>>
      %dma_start3A_76 = arith.constant 0 : i32
      %dma_start3A_77 = tpu.memref_slice %arg6[%add3A_73, %dma_start3A_76] : memref<16384x676xf32, #tpu.memory_space<hbm>> -> memref<16x676xf32, #tpu.memory_space<hbm>>
      tpu.enqueue_dma source(%arg11 : memref<16x676xf32, #tpu.memory_space<vmem>>) target(%dma_start3A_77 : memref<16x676xf32, #tpu.memory_space<hbm>>) target_semaphore(%arg18 : memref<!tpu.dma_semaphore, #tpu.memory_space<semaphore_mem>>)
      %mul3A_78 = arith.constant 2 : i32
      %mul3A_79 = arith.muli %scan3A_34, %mul3A_78 : i32
      %add3A_80 = arith.constant 1 : i32
      %add3A_81 = arith.addi %mul3A_79, %add3A_80 : i32
      %add3A_82 = arith.constant 1 : i32
      %add3A_83 = arith.addi %add3A_81, %add3A_82 : i32
      %lt3A_84 = arith.constant 32 : i32
      %lt3A_85 = arith.cmpi slt, %add3A_83, %lt3A_84 : i32
      %convert_element_type3A_86 = arith.extui %lt3A_85 : i1 to i32
      %cond3A_87 = arith.constant 0 : i32
      %cond3A_88 = arith.cmpi ne, %convert_element_type3A_86, %cond3A_87 : i32
      scf.if %cond3A_88 {
        %add3A_125 = arith.constant 1 : i32
        %add3A_126 = arith.addi %add3A_81, %add3A_125 : i32
        %mul3A_127 = arith.constant 16 : i32
        %mul3A_128 = arith.muli %add3A_126, %mul3A_127 : i32
        %add3A_129 = arith.addi %mul3A_4, %mul3A_128 : i32
        %dma_start3A_130 = arith.constant 0 : i32
        %dma_start3A_131 = tpu.memref_slice %arg2[%add3A_129, %dma_start3A_130] : memref<16384x676xi32, #tpu.memory_space<hbm>> -> memref<16x676xi32, #tpu.memory_space<hbm>>
        %dma_start3A_132 = arith.constant 0 : i32
        %dma_start3A_133 = tpu.memref_slice %arg2[%add3A_129, %dma_start3A_132] : memref<16384x676xi32, #tpu.memory_space<hbm>> -> memref<16x676xi32, #tpu.memory_space<hbm>>
        tpu.enqueue_dma source(%dma_start3A_133 : memref<16x676xi32, #tpu.memory_space<hbm>>) target(%arg8 : memref<16x676xi32, #tpu.memory_space<vmem>>) target_semaphore(%arg16 : memref<!tpu.dma_semaphore, #tpu.memory_space<semaphore_mem>>)
        %dma_start3A_134 = arith.constant 0 : i32
        %dma_start3A_135 = tpu.memref_slice %arg3[%add3A_129, %dma_start3A_134] : memref<16384x676xi32, #tpu.memory_space<hbm>> -> memref<16x676xi32, #tpu.memory_space<hbm>>
        %dma_start3A_136 = arith.constant 0 : i32
        %dma_start3A_137 = tpu.memref_slice %arg3[%add3A_129, %dma_start3A_136] : memref<16384x676xi32, #tpu.memory_space<hbm>> -> memref<16x676xi32, #tpu.memory_space<hbm>>
        tpu.enqueue_dma source(%dma_start3A_137 : memref<16x676xi32, #tpu.memory_space<hbm>>) target(%arg9 : memref<16x676xi32, #tpu.memory_space<vmem>>) target_semaphore(%arg16 : memref<!tpu.dma_semaphore, #tpu.memory_space<semaphore_mem>>)
        %dma_start3A_138 = arith.constant 0 : i32
        %dma_start3A_139 = tpu.memref_slice %arg4[%add3A_129, %dma_start3A_138] : memref<16384x676xf32, #tpu.memory_space<hbm>> -> memref<16x676xf32, #tpu.memory_space<hbm>>
        %dma_start3A_140 = arith.constant 0 : i32
        %dma_start3A_141 = tpu.memref_slice %arg4[%add3A_129, %dma_start3A_140] : memref<16384x676xf32, #tpu.memory_space<hbm>> -> memref<16x676xf32, #tpu.memory_space<hbm>>
        tpu.enqueue_dma source(%dma_start3A_141 : memref<16x676xf32, #tpu.memory_space<hbm>>) target(%arg10 : memref<16x676xf32, #tpu.memory_space<vmem>>) target_semaphore(%arg16 : memref<!tpu.dma_semaphore, #tpu.memory_space<semaphore_mem>>)
      } else {
      }
      %dma_wait3A_89 = arith.constant 0 : i32
      %dma_wait3A_90 = arith.constant 0 : i32
      %dma_wait3A_91 = tpu.memref_slice %arg2[%dma_wait3A_89, %dma_wait3A_90] : memref<16384x676xi32, #tpu.memory_space<hbm>> -> memref<16x676xi32, #tpu.memory_space<hbm>>
      %dma_wait3A_92 = arith.constant 0 : i32
      %dma_wait3A_93 = arith.constant 0 : i32
      %dma_wait3A_94 = tpu.memref_slice %arg2[%dma_wait3A_92, %dma_wait3A_93] : memref<16384x676xi32, #tpu.memory_space<hbm>> -> memref<16x676xi32, #tpu.memory_space<hbm>>
      tpu.wait_dma2 semaphore(%arg17 : memref<!tpu.dma_semaphore, #tpu.memory_space<semaphore_mem>>) src(%dma_wait3A_94 : memref<16x676xi32, #tpu.memory_space<hbm>>) dst(%arg12 : memref<16x676xi32, #tpu.memory_space<vmem>>)
      %dma_wait3A_95 = arith.constant 0 : i32
      %dma_wait3A_96 = arith.constant 0 : i32
      %dma_wait3A_97 = tpu.memref_slice %arg3[%dma_wait3A_95, %dma_wait3A_96] : memref<16384x676xi32, #tpu.memory_space<hbm>> -> memref<16x676xi32, #tpu.memory_space<hbm>>
      %dma_wait3A_98 = arith.constant 0 : i32
      %dma_wait3A_99 = arith.constant 0 : i32
      %dma_wait3A_100 = tpu.memref_slice %arg3[%dma_wait3A_98, %dma_wait3A_99] : memref<16384x676xi32, #tpu.memory_space<hbm>> -> memref<16x676xi32, #tpu.memory_space<hbm>>
      tpu.wait_dma2 semaphore(%arg17 : memref<!tpu.dma_semaphore, #tpu.memory_space<semaphore_mem>>) src(%dma_wait3A_100 : memref<16x676xi32, #tpu.memory_space<hbm>>) dst(%arg13 : memref<16x676xi32, #tpu.memory_space<vmem>>)
      %dma_wait3A_101 = arith.constant 0 : i32
      %dma_wait3A_102 = arith.constant 0 : i32
      %dma_wait3A_103 = tpu.memref_slice %arg4[%dma_wait3A_101, %dma_wait3A_102] : memref<16384x676xf32, #tpu.memory_space<hbm>> -> memref<16x676xf32, #tpu.memory_space<hbm>>
      %dma_wait3A_104 = arith.constant 0 : i32
      %dma_wait3A_105 = arith.constant 0 : i32
      %dma_wait3A_106 = tpu.memref_slice %arg4[%dma_wait3A_104, %dma_wait3A_105] : memref<16384x676xf32, #tpu.memory_space<hbm>> -> memref<16x676xf32, #tpu.memory_space<hbm>>
      tpu.wait_dma2 semaphore(%arg17 : memref<!tpu.dma_semaphore, #tpu.memory_space<semaphore_mem>>) src(%dma_wait3A_106 : memref<16x676xf32, #tpu.memory_space<hbm>>) dst(%arg14 : memref<16x676xf32, #tpu.memory_space<vmem>>)
      %gt3A_107 = arith.constant 0 : i32
      %gt3A_108 = arith.cmpi sgt, %scan3A_34, %gt3A_107 : i32
      %convert_element_type3A_109 = arith.extui %gt3A_108 : i1 to i32
      %cond3A_110 = arith.constant 0 : i32
      %cond3A_111 = arith.cmpi ne, %convert_element_type3A_109, %cond3A_110 : i32
      scf.if %cond3A_111 {
        %dma_wait3A_125 = arith.constant 0 : i32
        %dma_wait3A_126 = arith.constant 0 : i32
        %dma_wait3A_127 = tpu.memref_slice %arg6[%dma_wait3A_125, %dma_wait3A_126] : memref<16384x676xf32, #tpu.memory_space<hbm>> -> memref<16x676xf32, #tpu.memory_space<hbm>>
        %dma_wait3A_128 = arith.constant 0 : i32
        %dma_wait3A_129 = arith.constant 0 : i32
        %dma_wait3A_130 = tpu.memref_slice %arg6[%dma_wait3A_128, %dma_wait3A_129] : memref<16384x676xf32, #tpu.memory_space<hbm>> -> memref<16x676xf32, #tpu.memory_space<hbm>>
        tpu.wait_dma2 semaphore(%arg19 : memref<!tpu.dma_semaphore, #tpu.memory_space<semaphore_mem>>) src(%arg15 : memref<16x676xf32, #tpu.memory_space<vmem>>) dst(%dma_wait3A_130 : memref<16x676xf32, #tpu.memory_space<hbm>>)
      } else {
      }
      %scan3A_112 = arith.constant 0 : i32
      %scan3A_113 = arith.constant 0 : i32
      %scan3A_114 = arith.constant 16 : i32
      %scan3A_115 = arith.addi %scan3A_113, %scan3A_114 : i32
      %scan3A_116 = arith.constant 1 : i32
      scf.for %scan3A_125 = %scan3A_113 to %scan3A_115 step %scan3A_116  : i32 {
        %parallel_loop3A_126 = arith.constant 0 : i32
        %parallel_loop3A_127 = arith.constant 672 : i32
        %parallel_loop3A_128 = arith.constant 16 : i32
        scf.for %parallel_loop3A_146 = %parallel_loop3A_126 to %parallel_loop3A_127 step %parallel_loop3A_128  : i32 {
          %parallel_loop3A_147 = arith.index_cast %scan3A_125 : i32 to index
          %parallel_loop3A_148 = arith.index_cast %parallel_loop3A_146 : i32 to index
          %parallel_loop3A_149 = tpu.vector_load %arg12[%parallel_loop3A_147, %parallel_loop3A_148] {strides = array<i32>} : memref<16x676xi32, #tpu.memory_space<vmem>>, vector<16xi32>,
          %parallel_loop3A_150 = arith.constant 26 : i32
          %parallel_loop3A_151 = vector.broadcast %parallel_loop3A_150 : i32 to vector<16xi32>
          %parallel_loop3A_152 = arith.muli %parallel_loop3A_149, %parallel_loop3A_151 : vector<16xi32>
          %parallel_loop3A_153 = arith.index_cast %scan3A_125 : i32 to index
          %parallel_loop3A_154 = arith.index_cast %parallel_loop3A_146 : i32 to index
          %parallel_loop3A_155 = tpu.vector_load %arg13[%parallel_loop3A_153, %parallel_loop3A_154] {strides = array<i32>} : memref<16x676xi32, #tpu.memory_space<vmem>>, vector<16xi32>,
          %parallel_loop3A_156 = arith.addi %parallel_loop3A_152, %parallel_loop3A_155 : vector<16xi32>
          %parallel_loop3A_157 = tpu.vector_load_idx %arg7[%parallel_loop3A_156] : memref<688xf32, #tpu.memory_space<vmem>>[vector<16xi32>], vector<16xf32>,
          %parallel_loop3A_158 = arith.index_cast %scan3A_125 : i32 to index
          %parallel_loop3A_159 = arith.index_cast %parallel_loop3A_146 : i32 to index
          %parallel_loop3A_160 = tpu.vector_load %arg14[%parallel_loop3A_158, %parallel_loop3A_159] {strides = array<i32>} : memref<16x676xf32, #tpu.memory_space<vmem>>, vector<16xf32>,
          %parallel_loop3A_161 = arith.constant 0.000000e+00 : f32
          %parallel_loop3A_162 = vector.broadcast %parallel_loop3A_161 : f32 to vector<16xf32>
          %parallel_loop3A_163 = arith.subf %parallel_loop3A_162, %parallel_loop3A_160 : vector<16xf32>
          %parallel_loop3A_164 = math.exp %parallel_loop3A_163 : vector<16xf32>
          %parallel_loop3A_165 = arith.mulf %parallel_loop3A_157, %parallel_loop3A_164 : vector<16xf32>
          %parallel_loop3A_166 = arith.index_cast %scan3A_125 : i32 to index
          %parallel_loop3A_167 = arith.index_cast %parallel_loop3A_146 : i32 to index
          %parallel_loop3A_168 = tpu.vector_load %arg15[%parallel_loop3A_166, %parallel_loop3A_167] {strides = array<i32>} : memref<16x676xf32, #tpu.memory_space<vmem>>, vector<16xf32>,
          tpu.vector_store %arg15[%parallel_loop3A_166, %parallel_loop3A_167], %parallel_loop3A_165 {strides = array<i32>} : memref<16x676xf32, #tpu.memory_space<vmem>>, vector<16xf32>,
        } {sc.loop_unroll_factor = 14 : i64, sc.parallel_access}
        %get3A = arith.index_cast %scan3A_125 : i32 to index
        %get3A_129 = arith.constant 660 : index
        %get3A_130 = tpu.vector_load %arg12[%get3A, %get3A_129] {strides = array<i32>} : memref<16x676xi32, #tpu.memory_space<vmem>>, vector<16xi32>,
        %mul3A_131 = arith.constant 26 : i32
        %mul3A_132 = vector.broadcast %mul3A_131 : i32 to vector<16xi32>
        %mul3A_133 = arith.muli %get3A_130, %mul3A_132 : vector<16xi32>
        %get3A_134 = arith.index_cast %scan3A_125 : i32 to index
        %get3A_135 = arith.constant 660 : index
        %get3A_136 = tpu.vector_load %arg13[%get3A_134, %get3A_135] {strides = array<i32>} : memref<16x676xi32, #tpu.memory_space<vmem>>, vector<16xi32>,
        %add3A_137 = arith.addi %mul3A_133, %get3A_136 : vector<16xi32>
        %gather3A = tpu.vector_load_idx %arg7[%add3A_137] : memref<688xf32, #tpu.memory_space<vmem>>[vector<16xi32>], vector<16xf32>,
        %get3A_138 = arith.index_cast %scan3A_125 : i32 to index
        %get3A_139 = arith.constant 660 : index
        %get3A_140 = tpu.vector_load %arg14[%get3A_138, %get3A_139] {strides = array<i32>} : memref<16x676xf32, #tpu.memory_space<vmem>>, vector<16xf32>,
        %neg3A = arith.constant 0.000000e+00 : f32
        %neg3A_141 = vector.broadcast %neg3A : f32 to vector<16xf32>
        %neg3A_142 = arith.subf %neg3A_141, %get3A_140 : vector<16xf32>
        %exp3A = math.exp %neg3A_142 : vector<16xf32>
        %mul3A_143 = arith.mulf %gather3A, %exp3A : vector<16xf32>
        %swap3A = arith.index_cast %scan3A_125 : i32 to index
        %swap3A_144 = arith.constant 660 : index
        %swap3A_145 = tpu.vector_load %arg15[%swap3A, %swap3A_144] {strides = array<i32>} : memref<16x676xf32, #tpu.memory_space<vmem>>, vector<16xf32>,
        tpu.vector_store %arg15[%swap3A, %swap3A_144], %mul3A_143 {strides = array<i32>} : memref<16x676xf32, #tpu.memory_space<vmem>>, vector<16xf32>,
      }
      %scan3A_117 = arith.constant 16 : i32
      %mul3A_118 = arith.constant 16 : i32
      %mul3A_119 = arith.muli %add3A_81, %mul3A_118 : i32
      %add3A_120 = arith.addi %mul3A_4, %mul3A_119 : i32
      %dma_start3A_121 = arith.constant 0 : i32
      %dma_start3A_122 = tpu.memref_slice %arg6[%add3A_120, %dma_start3A_121] : memref<16384x676xf32, #tpu.memory_space<hbm>> -> memref<16x676xf32, #tpu.memory_space<hbm>>
      %dma_start3A_123 = arith.constant 0 : i32
      %dma_start3A_124 = tpu.memref_slice %arg6[%add3A_120, %dma_start3A_123] : memref<16384x676xf32, #tpu.memory_space<hbm>> -> memref<16x676xf32, #tpu.memory_space<hbm>>
      tpu.enqueue_dma source(%arg15 : memref<16x676xf32, #tpu.memory_space<vmem>>) target(%dma_start3A_124 : memref<16x676xf32, #tpu.memory_space<hbm>>) target_semaphore(%arg19 : memref<!tpu.dma_semaphore, #tpu.memory_space<semaphore_mem>>)
    }
    %scan3A_22 = arith.constant 16 : i32
    %dma_wait3A = arith.constant 0 : i32
    %dma_wait3A_23 = arith.constant 0 : i32
    %dma_wait3A_24 = tpu.memref_slice %arg6[%dma_wait3A, %dma_wait3A_23] : memref<16384x676xf32, #tpu.memory_space<hbm>> -> memref<16x676xf32, #tpu.memory_space<hbm>>
    %dma_wait3A_25 = arith.constant 0 : i32
    %dma_wait3A_26 = arith.constant 0 : i32
    %dma_wait3A_27 = tpu.memref_slice %arg6[%dma_wait3A_25, %dma_wait3A_26] : memref<16384x676xf32, #tpu.memory_space<hbm>> -> memref<16x676xf32, #tpu.memory_space<hbm>>
    tpu.wait_dma2 semaphore(%arg18 : memref<!tpu.dma_semaphore, #tpu.memory_space<semaphore_mem>>) src(%arg11 : memref<16x676xf32, #tpu.memory_space<vmem>>) dst(%dma_wait3A_27 : memref<16x676xf32, #tpu.memory_space<hbm>>)
    %dma_wait3A_28 = arith.constant 0 : i32
    %dma_wait3A_29 = arith.constant 0 : i32
    %dma_wait3A_30 = tpu.memref_slice %arg6[%dma_wait3A_28, %dma_wait3A_29] : memref<16384x676xf32, #tpu.memory_space<hbm>> -> memref<16x676xf32, #tpu.memory_space<hbm>>
    %dma_wait3A_31 = arith.constant 0 : i32
    %dma_wait3A_32 = arith.constant 0 : i32
    %dma_wait3A_33 = tpu.memref_slice %arg6[%dma_wait3A_31, %dma_wait3A_32] : memref<16384x676xf32, #tpu.memory_space<hbm>> -> memref<16x676xf32, #tpu.memory_space<hbm>>
    tpu.wait_dma2 semaphore(%arg19 : memref<!tpu.dma_semaphore, #tpu.memory_space<semaphore_mem>>) src(%arg15 : memref<16x676xf32, #tpu.memory_space<vmem>>) dst(%dma_wait3A_33 : memref<16x676xf32, #tpu.memory_space<hbm>>)
    return
  }
}

</mosaic_0001>

<sc_bundles>
// kernel: kernel.3.cloned.1.call-start
scs
__scs_entry_jumppad:
0x0: {  	(pc) =	sbr.rel $0x88, $3  }
0x1: {  	(tag) =	ssettag $0x0;
	lr =	simm.s32 $0x1  }
0x2: {  	[smem:$0x3F9D] =	sst lr;
	_ =	strace $0xD0000000  }
0x3: {  	_ = 	snop  }
0x4: {  	_ = 	snop  }
0x5: {  	_ = 	snop  }
0x6: {  	_ = 	snop  }
0x7: {  	_ = 	snop  }
__scs_overlays_trampoline_lowered:
0x8: {  	[smem:$0x3FAC] =	sst s0  }
0x9: {  	[smem:$0x3FAD] =	sst s1  }
0xa: {  	[smem:$0x3FAE] =	sst s2  }
0xb: {  	[smem:$0x3FAF] =	sst s3  }
0xc: {  	[smem:$0x3FB0] =	sst s4  }
0xd: {  	[smem:$0x3FB1] =	sst s5  }
0xe: {  	[smem:$0x3FB2] =	sst s6  }
0xf: {  	[smem:$0x3FB3] =	sst s7  }
0x10: {  	[smem:$0x3FB4] =	sst s8  }
0x11: {  	[smem:$0x3FB5] =	sst s9;
	s0 =	simm.s32 @!p0 $0x0  }
0x12: {  	s1 =	sld [smem:$0x3F9B];
	s0 =	simm.s32 @p0 $0x1  }
0x13: {  	[smem:$0x3FB6] =	sst s0;
	s0 =	simm.s32 @!p1 $0x0  }
0x14: {  	s2 =	sld [smem:$0x3F9A];
	s0 =	simm.s32 @p1 $0x1  }
0x15: {  	[smem:$0x3FB7] =	sst s0;
	s0 =	simm.s32 @!p2 $0x0  }
0x16: {  	s3 =	sld [smem:$0x3FDB];
	s0 =	simm.s32 @p2 $0x1  }
0x17: {  	s4 =	simm.s32 $0x1BF5;
	[smem:$0x3FB9] =	sst s0  }
0x18: {  	s0 =	sld [smem:$0x3F9C];
	_ =	swait.ge [sflag:s4], $0x0  }
0x19: {  	s7 =	sld [smem:$0x3F9D]  }
0x1a: {  	s8 =	sadd.s32 $0xFFFFE003, lr  }
0x1b: {  	s9 =	sadd.s32 $0xFFFFFEF7, lr;
	s5 =	simm.s32 $0xFFFFFFFF;
	p2 =	slt.u32 s8, $0xFFFFF086  }
0x1c: {  	p1 =	slt.u32 s9, $0xF7A;
	s5 =	simm.s32 @!p2 $0x0  }
0x1d: {  	s5 =	simm.s32 @p1 $0x1;
	p0 =	seq.s32 s7, s2  }
0x1e: {  	s7 =	smul.u32 @!p0 $0xF7A, s2;
	p2 =	seq.s32 @!p0 s5, $0x0  }
0x1f: {  	s9 =	smul.u32 $0xF7A, s1;
	s8 =	simm.s32 @!p0 $0x1BF5;
	p2 =	por !p2, p0  }
0x20: {  	[sflag:s8] =	ssyncset.s32 @!p0 $0xFFFFF086;
	s6 =	sadd.s32 @!p0 s3, s7;
	s7 =	simm.s32 @!p0 $0x108  }
0x21: {  	s3 =	sadd.s32 s3, s9;
	s6 =	sadd.s32 @!p0 $0x88, s6;
	s7 =	simm.s32 @p2 $0x1082  }
0x22: {  	[simem:s7], [sflag:s8] =	dma.local @!p0 [hbm:s6], $0xF7A  }
0x23: {  	s9 =	sor.u32 $0xD0000000, s2;
	s6 =	simm.s32 $0x108;
	_ =	swait.ge @!p0 [sflag:s8], $0x0  }
0x24: {  	s3 =	sadd.s32 $0x88, s3;
	s6 =	simm.s32 @!p1 $0x1082;
	[sflag:s4] =	ssyncset.s32 $0xFFFFF086  }
0x25: {  	[simem:s6], [sflag:s4] =	dma.local [hbm:s3], $0xF7A  }
0x26: {  	[smem:$0x3F9D] =	sst s1;
	(tag) =	ssettag s2;
	_ =	strace s9  }
0x27: {  	s1 =	sld [smem:$0x3FAD]  }
0x28: {  	s2 =	sld [smem:$0x3FAE]  }
0x29: {  	s4 =	sld [smem:$0x3FB0]  }
0x2a: {  	p0 =	seq.s32 s5, $0x0;
	s5 =	sld [smem:$0x3FB1]  }
0x2b: {  	s6 =	sld [smem:$0x3FB2]  }
0x2c: {  	s7 =	sld [smem:$0x3FB3]  }
0x2d: {  	s3 =	simm.s32 $0x108;
	s8 =	sld [smem:$0x3FB4]  }
0x2e: {  	s3 =	simm.s32 @!p0 $0x1082;
	s9 =	sld [smem:$0x3FB5]  }
0x2f: {  	lr =	sadd.s32 s0, s3;
	s0 =	sld [smem:$0x3FAC]  }
0x30: {  	s3 =	sld [smem:$0x3FAF]  }
0x31: {  	[smem:$0x3FB8] =	sst s10  }
0x32: {  	s10 =	sld [smem:$0x3FB6];
	_ =	sdelay $0x3  }
0x33: {  	p0 =	seq.s32 s10, $0x1;
	s10 =	sld [smem:$0x3FB8];
	_ =	sdelay $0x3  }
0x34: {  	[smem:$0x3FB8] =	sst s10  }
0x35: {  	s10 =	sld [smem:$0x3FB7];
	_ =	sdelay $0x3  }
0x36: {  	p1 =	seq.s32 s10, $0x1;
	s10 =	sld [smem:$0x3FB8];
	_ =	sdelay $0x3  }
0x37: {  	[smem:$0x3FB8] =	sst s10  }
0x38: {  	s10 =	sld [smem:$0x3FB9]  }
0x39: {  	_ = 	snop;
	(pc) =	sbr.ind lr, $3  }
0x3a: {  	_ = 	snop  }
0x3b: {  	_ = 	snop  }
0x3c: {  	p2 =	seq.s32 s10, $0x1;
	s10 =	sld [smem:$0x3FB8]  }
0x3d: {  	_ =	shalt  }
0x3e: {  	_ =	shalt  }
0x3f: {  	_ =	shalt  }
0x40: {  	_ =	shalt  }
0x41: {  	_ =	shalt  }
0x42: {  	_ =	shalt  }
0x43: {  	_ =	shalt  }
0x44: {  	_ =	shalt  }
0x45: {  	_ =	shalt  }
0x46: {  	_ =	shalt  }
0x47: {  	_ =	shalt  }
0x48: {  	_ =	shalt  }
0x49: {  	_ =	shalt  }
0x4a: {  	_ =	shalt  }
0x4b: {  	_ =	shalt  }
0x4c: {  	_ =	shalt  }
0x4d: {  	_ =	shalt  }
0x4e: {  	_ =	shalt  }
0x4f: {  	_ =	shalt  }
0x50: {  	_ =	shalt  }
0x51: {  	_ =	shalt  }
0x52: {  	_ =	shalt  }
0x53: {  	_ =	shalt  }
0x54: {  	_ =	shalt  }
0x55: {  	_ =	shalt  }
0x56: {  	_ =	shalt  }
0x57: {  	_ =	shalt  }
0x58: {  	_ =	shalt  }
0x59: {  	_ =	shalt  }
0x5a: {  	_ =	shalt  }
0x5b: {  	_ =	shalt  }
0x5c: {  	_ =	shalt  }
0x5d: {  	_ =	shalt  }
0x5e: {  	_ =	shalt  }
0x5f: {  	_ =	shalt  }
0x60: {  	_ =	shalt  }
0x61: {  	_ =	shalt  }
0x62: {  	_ =	shalt  }
0x63: {  	_ =	shalt  }
0x64: {  	_ =	shalt  }
0x65: {  	_ =	shalt  }
0x66: {  	_ =	shalt  }
0x67: {  	_ =	shalt  }
0x68: {  	_ =	shalt  }
0x69: {  	_ =	shalt  }
0x6a: {  	_ =	shalt  }
0x6b: {  	_ =	shalt  }
0x6c: {  	_ =	shalt  }
0x6d: {  	_ =	shalt  }
0x6e: {  	_ =	shalt  }
0x6f: {  	_ =	shalt  }
0x70: {  	_ =	shalt  }
0x71: {  	_ =	shalt  }
0x72: {  	_ =	shalt  }
0x73: {  	_ =	shalt  }
0x74: {  	_ =	shalt  }
0x75: {  	_ =	shalt  }
0x76: {  	_ =	shalt  }
0x77: {  	_ =	shalt  }
0x78: {  	_ =	shalt  }
0x79: {  	_ =	shalt  }
0x7a: {  	_ =	shalt  }
0x7b: {  	_ =	shalt  }
0x7c: {  	_ =	shalt  }
0x7d: {  	_ =	shalt  }
0x7e: {  	_ =	shalt  }
0x7f: {  	_ =	shalt  }
0x80: {  	_ =	shalt  }
0x81: {  	_ =	shalt  }
0x82: {  	_ =	shalt  }
0x83: {  	_ =	shalt  }
0x84: {  	_ =	shalt  }
0x85: {  	_ =	shalt  }
0x86: {  	_ =	shalt  }
0x87: {  	_ =	shalt  }
.Lfunc_end0:
.L_simem_size_0:
called_computation_lowered:
.L_overlay_start_0:
0x88: {  	s2 =	sld [smem:$0x3FD9]  }
0x89: {  	s3 =	sld [smem:$0x3FFE];
	_ =	sdelay $0x1  }
0x8a: {  	s1 =	srdreg.scid  }
0x8b: {  	s0 =	sand.u32 $0x1, s1  }
0x8c: {  	s17 =	sshll.u32 s0, $0xA;
	s2 =	sadd.s32 s3, s2  }
0x8d: {  	s2 =	sadd.s32 s2, s17  }
0x8e: {  	[smem:$0x3FC4] =	sst s2  }
0x8f: {  	_ = 	snop  }
0x90: {  	s2 =	sld [smem:$0x3FD0];
	(tm) =	ssettm $0x1  }
0x91: {  	s18 =	sld [smem:$0x3FFB];
	_ =	sdelay $0x3  }
0x92: {  	_ =	strace s18  }
0x93: {  	s3 =	sld [smem:$0x3FFC];
	_ =	sdelay $0x3  }
0x94: {  	_ =	strace s3  }
0x95: {  	s3 =	sld [smem:$0x3FFD];
	_ =	sdelay $0x3  }
0x96: {  	_ =	strace s3  }
0x97: {  	_ =	strace $0x8FFFFFFF  }
0x98: {  	s19 =	sld [smem:$0x3FDB];
	_ =	sdelay $0x1  }
0x99: {  	s4 =	simm.s32 $_scs_section_size  }
0x9a: {  	s5 =	simm.s32 $_size__tile_overlayer_lowered;
	s6 =	simm.s32 $_tile_overlayer_lowered  }
0x9b: {  	s22 =	simm.s32 $0x1BFF;
	s21 =	sshll.u32 s6, $0x1;
	s3 =	sadd.s32 s4, s19  }
0x9c: {  	s7 =	simm.s32 $0x0;
	s20 =	sshll.u32 s5, $0x1;
	s5 =	sadd.s32 s21, s3  }
0x9d: {  	[timem:s7], [sflag:s22] =	dma.local [hbm:s5], s20  }
0x9e: {  	_ =	swait.ge [sflag:s22], s20  }
0x9f: {  	s4 =	ssub.s32 $0x0, s20;
	[sflag:s22] =	ssyncset.done $0x0  }
0xa0: {  	[sflag:s22] =	ssyncadd.s32 s4;
	_ =	sdelay $0x1  }
0xa1: {  	s23 =	simm.s32 $0x1B8B  }
0xa2: {  	_ =	swait.ge [sflag:s23], $0x1  }
0xa3: {  	[sflag:s23] =	ssyncset.done $0x0  }
0xa4: {  	s25 =	simm.s32 $0x1B8E;
	s24 =	sld [smem:$0x3FFE];
	[sflag:s23] =	ssyncadd.s32 $0xFFFFFFFF  }
0xa5: {  	s26 =	simm.s32 $execute0_lowered;
	[smem:$0x3FD2] =	sst s25  }
0xa6: {  	s5 =	sshll.u32 s26, $0x1;
	_ =	strace $0x80000046;
	[dreg:$0x1] =	wrdreg $0xFFFFFFFF  }
0xa7: {  	s28 =	simm.s32 $_size_execute0_lowered;
	s3 =	sadd.s32 s3, s5;
	[dreg:$0x0] =	wrdreg $0x0  }
0xa8: {  	s5 =	sshll.u32 s28, $0x1;
	[dreg:$0x2] =	wrdreg s3  }
0xa9: {  	[dreg:$0x3] =	wrdreg s5  }
0xaa: {  	[dreg:$0x4] =	wrdreg $0xC0  }
0xab: {  	_ =	task [dreg:s7], $0x5FFFF  }
0xac: {  	[dreg:$0x1] =	wrdreg $0xFFFFFFFF  }
0xad: {  	[dreg:$0x0] =	wrdreg $0x60  }
0xae: {  	[dreg:$0x2] =	wrdreg s24  }
0xaf: {  	[dreg:$0x3] =	wrdreg s2  }
0xb0: {  	[dreg:$0x4] =	wrdreg $0x9  }
0xb1: {  	_ =	task.clear_ibuf [dreg:s7], $0x5FFFF;
	_ =	strace $0x90000046  }
0xb2: {  	s29 =	simm.s32 $0x9;
	_ =	strace $0x80000048  }
0xb3: {  	_ =	swait.ge [sflag:s29], $0x1  }
0xb4: {  	[sflag:s29] =	ssyncadd.s32 $0xFFFFFFFF  }
0xb5: {  	_ =	strace $0x90000048  }
0xb6: {  	_ =	sfence  }
0xb7: {  	s30 =	sld [smem:$0x0];
	_ =	sdelay $0x2  }
0xb8: {  	s31 =	sshll.u32 s1, $0xD;
	s1 =	sshrl.u32 s1, $0x2  }
0xb9: {  	s3 =	sand.u32 $0x4000, s31;
	s1 =	sadd.s32 s1, s30  }
0xba: {  	s0 =	sor.u32 s3, s0;
	s1 =	sshll.u32 s1, $0x11  }
0xbb: {  	s0 =	sor.u32 s1, s0  }
0xbc: {  	s0 =	sadd.s32 $0x8F2B, s0  }
0xbd: {  	[sflag:s0] =	ssyncadd.remote.s32 $0x1  }
0xbe: {  	_ =	sfence.sel $0xFFFF  }
0xbf: {  	[dreg:$0x0] =	wrdreg $0xFFFFFFFF;
	(pc) =	sbr.abs _section_cstart, $3  }
0xc0: {  	[dreg:$0x1] =	wrdreg $0xFFFFFFFF  }
0xc1: {  	_ =	task.clear_ibuf [dreg:s7], $0x2FFFF;
	_ =	strace $0x9FFFFFFF  }
0xc2: {  	(tm) =	ssettm $0x7FFFFFFF  }
0xc3: {  	_ =	shalt  }
tec
execute0_lowered:
.L_overlay_start_1:
0x0: {  	(tag) =	ssettag $0x1  }
0x1: {  	s0 =	rddreg [dreg:$0x0];
	s1 =	srdreg.scid;
	s19 =	simm.s32 $0x0  }
0x2: {  	s2 =	stileid.u32;
	[smem:$0x7FF] =	sst s19;
	s5 =	sadd.s32 $0x180400, s0  }
0x3: {  	s4 =	sadd.s32 $0x400, s0;
	s6 =	sadd.s32 $0x300400, s0;
	s0 =	sadd.s32 $0x480400, s0  }
0x4: {  	s1 =	sand.u32 $0x1, s1;
	_ =	strace $0x80000047;
	[smem:$0x7F3] =	sst s0  }
0x5: {  	s2 =	sshll.u32 s2, $0xA;
	s3 =	sshll.u32 s1, $0x9;
	[smem:$0x7F4] =	sst s4  }
0x6: {  	s1 =	ssub.s32 $0x2, s1;
	[smem:$0x7F6] =	sst s5;
	s3 =	sor.u32 s3, s2  }
0x7: {  	[smem:$0x7F8] =	sst s6;
	s25 =	sshrl.u32 s1, $0x1;
	s2 =	sshrl.u32 s3, $0x3  }
0x8: {  	s0 =	ssub.s32 s1, s25;
	s30 =	sor.u32 $0x10, s3;
	[smem:$0x7FB] =	sst s3  }
0x9: {  	s31 =	sor.u32 $0x20, s3;
	s2 =	smul.u32 $0x300, s2;
	[smem:$0x7FA] =	sst s30  }
0xa: {  	[smem:$0x7FC] =	sst s31;
	s0 =	smax.u32 s0, $0x1  }
0xb: {  	[smem:$0x7FD] =	sst s0;
	s26 =	sadd.s32 s4, s2  }
0xc: {  	s28 =	sadd.s32 s5, s2;
	[smem:$0x7F5] =	sst s26  }
0xd: {  	s29 =	sadd.s32 s6, s2;
	[smem:$0x7F7] =	sst s28  }
0xe: {  	s2 =	simm.s32 $0x0;
	[smem:$0x7F9] =	sst s29  }
.LBB2_1:
0xf: {  	[smem:$0x7F2] =	sst s2  }
0x10: {  	s0 =	rddreg [dreg:$0x1];
	s31 =	simm.s32 $0x5  }
0x11: {  	[tilespmem:s19], [sflag:$0x5] =	stream.linear.gather [hbm4b:s0+s19], $0x300, $0x38;
	[tilespmem:$0x18300] =	vst v63  }
0x12: {  	_ =	swait.ge [sflag:s31], $0x300  }
0x13: {  	[sflag:s31] =	ssyncset.done $0x0  }
0x14: {  	[sflag:s31] =	ssyncadd.s32 $0xFFFFFD00  }
0x15: {  	v0 =	vld [tilespmem:s19+$0x0];
	_ =	sdelay $0x3  }
0x16: {  	s1 =	simm.s32 $0x10  }
0x17: {  	v1 =	vld [tilespmem:s1+$0x0];
	v0 =	vsub.f32 $0.0e+00, v0  }
0x18: {  	s0 =	simm.s32 $0x20  }
0x19: {  	v2 =	vld [tilespmem:s0+$0x0];
	v0 =	vmul.f32 $1.442695020e+00, v0;
	_ =	sdelay $0x1  }
0x1a: {  	(erf) = vpow2.f32 v0  }
0x1b: {  	v1 =	vsub.f32 $0.0e+00, v1;
	_ =	sdelay $0x1  }
0x1c: {  	v0 =	vmul.f32 $1.442695020e+00, v1;
	v1 =	vsub.f32 $0.0e+00, v2;
	_ =	sdelay $0x1  }
0x1d: {  	(erf) = vpow2.f32 v0;
	v0 =	vmul.f32 $1.442695020e+00, v1  }
0x1e: {  	s2 =	simm.s32 $0x30  }
0x1f: {  	v1 =	vld [tilespmem:s2+$0x0];
	_ =	sdelay $0x1  }
0x20: {  	(erf) = vpow2.f32 v0;
	v0 =	vpop (erf)  }
0x21: {  	v0 =	vadd.f32 $1.000000000e+00, v0;
	_ =	sdelay $0x1  }
0x22: {  	v1 =	vsub.f32 $0.0e+00, v1;
	(erf) = vrcp.f32 v0  }
0x23: {  	s3 =	simm.s32 $0x40  }
0x24: {  	v2 =	vld [tilespmem:s3+$0x0];
	v1 =	vmul.f32 $1.442695020e+00, v1;
	v3 =	vpop (erf)  }
0x25: {  	v0 =	vadd.f32 $1.000000000e+00, v3  }
0x26: {  	(erf) = vpow2.f32 v1  }
0x27: {  	(erf) = vrcp.f32 v0  }
0x28: {  	s4 =	simm.s32 $0x50  }
0x29: {  	s6 =	simm.s32 $0x50;
	s5 =	simm.s32 $0x0;
	v1 =	vsub.f32 $0.0e+00, v2;
	v2 =	vpop (erf);
	v0 =	vld [tilespmem:s4+$0x0]  }
.LBB2_2:
0x2a: {  	s6 =	sadd.s32 $0x10, s6  }
0x2b: {  	v1 =	vmul.f32 $1.442695020e+00, v1;
	v2 =	vadd.f32 $1.000000000e+00, v2;
	v3 =	vpop (erf);
	p0 =	slt.u32 s6, $0x2A0  }
.Ltmp0:
0x2c: {  	[tilespmem:s5+$0x0] =	vst v3;
	s5 =	smov.u32 s1;
	(pc) =	sbr.rel @p0 .LBB2_2-.Ltmp0, $4  }
0x2d: {  	s1 =	smov.u32 s0;
	s0 =	smov.u32 s2;
	s2 =	smov.u32 s3;
	(erf) = vpow2.f32 v1  }
0x2e: {  	s3 =	smov.u32 s4;
	(erf) = vrcp.f32 v2  }
0x2f: {  	s4 =	sadd.s32 $0x10, s4;
	v1 =	vsub.f32 $0.0e+00, v0  }
0x30: {  	v0 =	vld [tilespmem:s4+$0x0];
	v2 =	vpop (erf)  }
0x31: {  	_ =	sdelay $0x3  }
0x32: {  	v1 =	vmul.f32 $1.442695020e+00, v1;
	v0 =	vsub.f32 $0.0e+00, v0  }
0x33: {  	v2 =	vadd.f32 $1.000000000e+00, v2  }
0x34: {  	(erf) = vpow2.f32 v1;
	v0 =	vmul.f32 $1.442695020e+00, v0  }
0x35: {  	(erf) = vrcp.f32 v2  }
0x36: {  	(erf) = vpow2.f32 v0;
	_ =	sdelay $0x3  }
0x37: {  	v57 =	vpop (erf)  }
0x38: {  	v58 =	vpop (erf)  }
0x39: {  	v59 =	vpop (erf)  }
0x3a: {  	v3 =	vpop (erf)  }
0x3b: {  	v1 =	vadd.f32 $1.000000000e+00, v58;
	v4 =	vpop (erf)  }
0x3c: {  	v3 =	vadd.f32 $1.000000000e+00, v3;
	v5 =	vpop (erf)  }
0x3d: {  	(erf) = vrcp.f32 v1;
	v60 =	vadd.f32 $1.000000000e+00, v5  }
0x3e: {  	(erf) = vrcp.f32 v3  }
0x3f: {  	(erf) = vrcp.f32 v60;
	_ =	sdelay $0x4  }
0x40: {  	[tilespmem:s5+$0x0] =	vst v57  }
0x41: {  	[tilespmem:s1+$0x0] =	vst v59  }
0x42: {  	[tilespmem:s0+$0x0] =	vst v4;
	v61 =	vpop (erf)  }
0x43: {  	[tilespmem:s2+$0x0] =	vst v61;
	v62 =	vpop (erf)  }
0x44: {  	[tilespmem:s3+$0x0] =	vst v62;
	v63 =	vpop (erf)  }
0x45: {  	[tilespmem:s4+$0x0] =	vst v63  }
0x46: {  	s0 =	sld [smem:$0x7F5];
	_ =	sdelay $0x1  }
0x47: {  	s26 =	simm.s32 $0x300;
	s2 =	simm.s32 $0x0;
	s28 =	sld [smem:$0x7F7]  }
0x48: {  	[tilespmem:s26], [sflag:$0x1] =	stream.linear.gather [hbm4b:s0+s2], $0x3000, $0x38;
	[tilespmem:$0x18300] =	vst v63  }
0x49: {  	s29 =	simm.s32 $0x3300;
	s30 =	sld [smem:$0x7F9]  }
0x4a: {  	[tilespmem:s29], [sflag:$0x1] =	stream.linear.gather [hbm4b:s28+s2], $0x3000, $0x38;
	[tilespmem:$0x18300] =	vst v63  }
0x4b: {  	s31 =	simm.s32 $0x6300  }
0x4c: {  	[tilespmem:s31], [sflag:$0x1] =	stream.linear.gather [hbm4b:s30+s2], $0x3000, $0x38;
	[tilespmem:$0x18300] =	vst v63  }
.LBB2_4:
0x4d: {  	s0 =	sld [smem:$0x7FA];
	_ =	sdelay $0x1  }
0x4e: {  	s1 =	sshll.u32 s2, $0x5  }
0x4f: {  	s0 =	sadd.s32 s0, s1  }
0x50: {  	s24 =	sld [smem:$0x7F4];
	s0 =	sshrl.u32 s0, $0x3  }
0x51: {  	s3 =	smul.u32 $0x300, s0  }
0x52: {  	s25 =	simm.s32 $0xC300;
	s26 =	sld [smem:$0x7F6]  }
0x53: {  	s28 =	simm.s32 $0xF300;
	s29 =	sld [smem:$0x7F8];
	s0 =	sadd.s32 s24, s3  }
0x54: {  	[tilespmem:s25], [sflag:$0x2] =	stream.linear.gather [hbm4b:s0+s19], $0x3000, $0x38;
	[tilespmem:$0x18300] =	vst v63  }
0x55: {  	s30 =	simm.s32 $0x12300;
	[smem:$0x7EF] =	sst s1;
	s0 =	sadd.s32 s26, s3  }
0x56: {  	[tilespmem:s28], [sflag:$0x2] =	stream.linear.gather [hbm4b:s0+s19], $0x3000, $0x38;
	[tilespmem:$0x18300] =	vst v63  }
0x57: {  	s31 =	simm.s32 $0x1;
	[smem:$0x7F0] =	sst s3;
	s0 =	sadd.s32 s29, s3  }
0x58: {  	[tilespmem:s30], [sflag:$0x2] =	stream.linear.gather [hbm4b:s0+s19], $0x3000, $0x38;
	[tilespmem:$0x18300] =	vst v63  }
0x59: {  	_ =	swait.ge [sflag:s31], $0x3000  }
0x5a: {  	[sflag:s31] =	ssyncset.done $0x0  }
0x5b: {  	[sflag:s31] =	ssyncadd.s32 $0xFFFFD000  }
0x5c: {  	_ =	swait.ge [sflag:s31], $0x3000  }
0x5d: {  	[sflag:s31] =	ssyncset.done $0x0  }
0x5e: {  	[sflag:s31] =	ssyncadd.s32 $0xFFFFD000  }
0x5f: {  	_ =	swait.ge [sflag:s31], $0x3000  }
0x60: {  	p0 =	seq.s32 s2, $0x0;
	[sflag:s31] =	ssyncset.done $0x0  }
0x61: {  	s0 =	simm.s32 @!p0 $0x3;
	[smem:$0x7F1] =	sst s2;
	[sflag:s31] =	ssyncadd.s32 $0xFFFFD000  }
0x62: {  	_ =	swait.ge @!p0 [sflag:s0], $0x3000  }
0x63: {  	[sflag:s0] =	ssyncset.done @!p0 $0x0  }
0x64: {  	s1 =	simm.s32 $0x0;
	s2 =	simm.s32 $0x0;
	[sflag:s0] =	ssyncadd.s32 @!p0 $0xFFFFD000  }
.LBB2_5:
0x65: {  	s0 =	sshrl.u32 s1, $0x3;
	[smem:$0x7ED] =	sst s1;
	s6 =	sshll.u32 s1, $0x7  }
0x66: {  	[smem:$0x7EE] =	sst s2;
	s7 =	sand.u32 $0x7, s2;
	s18 =	simm.s32 $0x680  }
0x67: {  	s14 =	simm.s32 $0x600;
	s15 =	simm.s32 $0x380;
	s16 =	simm.s32 $0x300  }
0x68: {  	s21 =	simm.s32 $0x280;
	s23 =	simm.s32 $0x200;
	s24 =	simm.s32 $0x0  }
0x69: {  	s5 =	simm.s32 $0x20;
	s22 =	simm.s32 $0x30;
	s25 =	simm.s32 $0x180  }
0x6a: {  	s26 =	simm.s32 $0x0;
	s3 =	smul.u32 $0x6000, s0;
	s17 =	sand.u32 $0x380, s6  }
0x6b: {  	s8 =	sshll.u32 s7, $0x9;
	s20 =	smul.u32 $0x1800, s0;
	s4 =	sand.u32 $0x3FFFFC00, s18  }
0x6c: {  	s7 =	simm.s32 $0x90;
	s0 =	sand.u32 $0x3FFFFC00, s14;
	s10 =	sor.u32 s3, s8  }
0x6d: {  	s2 =	sand.u32 $0x3FFFFC00, s15;
	s15 =	sand.u32 $0x60, s24;
	[dreg:$0x3] =	wrdreg s10  }
0x6e: {  	s5 =	sand.u32 $0x60, s5;
	s9 =	sor.u32 $0x10, s17;
	s13 =	rddreg [dreg:$0x3]  }
0x6f: {  	s7 =	sand.u32 $0x70, s7;
	s11 =	sor.u32 s17, s20;
	s1 =	sadd.s32 $0x0, s13  }
0x70: {  	[dreg:$0x4] =	wrdreg s9;
	s12 =	sor.u32 $0x400, s11;
	s1 =	sshra.s32 s1, $0x2  }
0x71: {  	s9 =	simm.s32 $0xA0;
	[dreg:$0x5] =	wrdreg s12;
	s6 =	sadd.s32 s1, s4  }
0x72: {  	s3 =	sand.u32 $0x3FFFFC00, s16;
	s16 =	simm.s32 $0x100;
	s8 =	rddreg [dreg:$0x4];
	v0 =	vld [tilespmem:s6+$0x350]  }
0x73: {  	s10 =	simm.s32 $0xB0;
	s9 =	sand.u32 $0x60, s9;
	s16 =	sand.u32 $0x3C00, s16  }
0x74: {  	s12 =	sand.u32 $0x3FFFFC00, s21;
	s10 =	sand.u32 $0x70, s10;
	s8 =	sor.u32 s8, s15;
	v1 =	vld [tilespmem:s6+$0x3350]  }
0x75: {  	s16 =	sadd.s32 s20, s16;
	s14 =	rddreg [dreg:$0x5];
	s31 =	sadd.s32 s1, s3;
	v2 =	vld [tilespmem:s6+$0x6350]  }
0x76: {  	s13 =	sand.u32 $0x3FFFFC00, s23;
	s5 =	sor.u32 s5, s16;
	s12 =	sadd.s32 s1, s12;
	v3 =	vld [tilespmem:s31+$0x6360]  }
0x77: {  	s16 =	sand.u32 $0x1C00, s26;
	s3 =	sand.u32 $0x3C00, s25;
	s29 =	sadd.s32 s1, s2;
	v4 =	vld [tilespmem:s12+$0x6350];
	v0 =	vmul.u32 $0x1A, v0  }
0x78: {  	s28 =	sadd.s32 s1, s0;
	s11 =	sadd.s32 s20, s3;
	v5 =	vld [tilespmem:s29+$0x6370];
	s3 =	sadd.s32 s20, s16  }
0x79: {  	s4 =	sand.u32 $0x70, s22;
	s13 =	sadd.s32 s1, s13;
	v6 =	vld [tilespmem:s28+$0x6340];
	s30 =	sor.u32 s3, s8;
	v0 =	vadd.s32 v1, v0  }
0x7a: {  	s2 =	simm.s32 $0x480;
	s1 =	sor.u32 s4, s11;
	s11 =	sor.u32 s17, s5;
	v7 =	vld [tilespmem:s30+$0x6300]  }
0x7b: {  	s22 =	simm.s32 $0x500;
	s25 =	simm.s32 $0x580;
	s0 =	sand.u32 $0x3C00, s2;
	v8 =	vld [tilespmem:s11+$0x6300]  }
0x7c: {  	s2 =	sadd.s32 s14, s16;
	s0 =	sadd.s32 s20, s0;
	s26 =	sor.u32 s17, s1;
	v1 =	vld [tilespmem:s13+$0x6340]  }
0x7d: {  	s4 =	sand.u32 $0x3C00, s22;
	s8 =	sand.u32 $0x3C00, s25;
	s16 =	sor.u32 s15, s2;
	v9 =	vld [tilespmem:s26+$0x6300]  }
0x7e: {  	s0 =	sor.u32 s7, s0;
	s14 =	sadd.s32 s20, s4;
	v0 =	vld.idx.msk [tilespmem:v0+s19+$0x0], $0xffff;
	[dreg:$0xb] =	wrdreg s20  }
0x7f: {  	s1 =	sadd.s32 s20, s8;
	v2 =	vsub.f32 $0.0e+00, v2;
	s20 =	sor.u32 s9, s14;
	s14 =	sor.u32 s17, s0;
	v10 =	vld [tilespmem:s16+$0x6300]  }
0x80: {  	s22 =	sor.u32 s10, s1;
	v3 =	vsub.f32 $0.0e+00, v3;
	s4 =	sor.u32 s17, s20;
	v11 =	vld [tilespmem:s14+$0x6300];
	[dreg:$0x9] =	wrdreg s17  }
0x81: {  	s25 =	sor.u32 s17, s15;
	s2 =	sor.u32 s17, s22;
	v2 =	vmul.f32 $1.442695020e+00, v2;
	v1 =	vsub.f32 $0.0e+00, v1;
	v12 =	vld [tilespmem:s4+$0x6300]  }
0x82: {  	s1 =	sor.u32 s3, s25;
	v3 =	vmul.f32 $1.442695020e+00, v3;
	v13 =	vld [tilespmem:s2+$0x6300]  }
0x83: {  	v4 =	vsub.f32 $0.0e+00, v4;
	(erf) = vpow2.f32 v2;
	v14 =	vld [tilespmem:s1+$0x6300];
	v1 =	vmul.f32 $1.442695020e+00, v1  }
0x84: {  	v2 =	vsub.f32 $0.0e+00, v5;
	v5 =	vsub.f32 $0.0e+00, v6;
	(erf) = vpow2.f32 v3;
	v15 =	vld [tilespmem:s13+$0x340]  }
0x85: {  	v4 =	vmul.f32 $1.442695020e+00, v4;
	v3 =	vld [tilespmem:s12+$0x350];
	(erf) = vpow2.f32 v1;
	v1 =	vsub.f32 $0.0e+00, v7  }
0x86: {  	v2 =	vmul.f32 $1.442695020e+00, v2;
	v5 =	vmul.f32 $1.442695020e+00, v5;
	v6 =	vld [tilespmem:s31+$0x360];
	v7 =	vsub.f32 $0.0e+00, v8  }
0x87: {  	v16 =	vld [tilespmem:s30+$0x300];
	v8 =	vsub.f32 $0.0e+00, v9;
	(erf) = vpow2.f32 v4;
	v1 =	vmul.f32 $1.442695020e+00, v1  }
0x88: {  	v17 =	vld [tilespmem:s26+$0x300];
	(erf) = vpow2.f32 v2;
	v7 =	vmul.f32 $1.442695020e+00, v7  }
0x89: {  	v21 =	vld [tilespmem:s4+$0x300];
	v9 =	vsub.f32 $0.0e+00, v10;
	(erf) = vpow2.f32 v5;
	v5 =	vmul.f32 $1.442695020e+00, v8  }
0x8a: {  	v22 =	vld [tilespmem:s2+$0x300];
	v8 =	vsub.f32 $0.0e+00, v11;
	v10 =	vsub.f32 $0.0e+00, v12;
	(erf) = vpow2.f32 v1  }
0x8b: {  	v23 =	vld [tilespmem:s1+$0x300];
	v12 =	vsub.f32 $0.0e+00, v14;
	v9 =	vmul.f32 $1.442695020e+00, v9;
	(erf) = vpow2.f32 v7  }
0x8c: {  	v24 =	vld [tilespmem:s13+$0x3340];
	v7 =	vmul.f32 $1.442695020e+00, v8;
	v8 =	vsub.f32 $0.0e+00, v13;
	(erf) = vpow2.f32 v5  }
0x8d: {  	v28 =	vld [tilespmem:s12+$0x3350];
	v18 =	vpop (erf);
	v10 =	vmul.f32 $1.442695020e+00, v10;
	(erf) = vpow2.f32 v9  }
0x8e: {  	v31 =	vld [tilespmem:s31+$0x3360];
	v5 =	vpop (erf);
	v8 =	vmul.f32 $1.442695020e+00, v8;
	(erf) = vpow2.f32 v7  }
0x8f: {  	v33 =	vld [tilespmem:s29+$0x3370];
	v7 =	vmul.f32 $1.442695020e+00, v12;
	v11 =	vpop (erf);
	(erf) = vpow2.f32 v10  }
0x90: {  	v4 =	vld [tilespmem:s29+$0x370];
	v12 =	vpop (erf);
	(erf) = vpow2.f32 v8  }
0x91: {  	v2 =	vld [tilespmem:s28+$0x340];
	(erf) = vpow2.f32 v7;
	v10 =	vpop (erf)  }
0x92: {  	v14 =	vld [tilespmem:s14+$0x300];
	v9 =	vpop (erf)  }
0x93: {  	v1 =	vld [tilespmem:s11+$0x300];
	v8 =	vpop (erf)  }
0x94: {  	v35 =	vld [tilespmem:s28+$0x3340];
	v32 =	vmul.f32 v18, v0;
	v7 =	vpop (erf)  }
0x95: {  	v25 =	vmul.u32 $0x1A, v15;
	v29 =	vmul.u32 $0x1A, v3;
	v34 =	vmul.u32 $0x1A, v6;
	v13 =	vld [tilespmem:s16+$0x300];
	v6 =	vpop (erf)  }
0x96: {  	v30 =	vld [tilespmem:s30+$0x3300];
	v20 =	vmul.u32 $0x1A, v16;
	v18 =	vmul.u32 $0x1A, v17;
	v15 =	vmul.u32 $0x1A, v21;
	v3 =	vpop (erf)  }
0x97: {  	v27 =	vld [tilespmem:s11+$0x3300];
	v25 =	vadd.s32 v24, v25;
	v24 =	vadd.s32 v28, v29;
	v37 =	vmul.u32 $0x1A, v2;
	v0 =	vpop (erf)  }
0x98: {  	v26 =	vld [tilespmem:s26+$0x3300];
	v36 =	vmul.u32 $0x1A, v4;
	v16 =	vmul.u32 $0x1A, v14;
	v19 =	vmul.u32 $0x1A, v1;
	v1 =	vpop (erf)  }
0x99: {  	s5 =	simm.s32 $0x0;
	v29 =	vld [tilespmem:s16+$0x3300];
	v14 =	vmul.u32 $0x1A, v23;
	v23 =	vadd.s32 v31, v34;
	v21 =	vadd.s32 v35, v37;
	v2 =	vpop (erf)  }
0x9a: {  	s7 =	simm.s32 $0xA80;
	s8 =	simm.s32 $0xA00;
	[tilespmem:s6+$0x9350] =	vst v32;
	v28 =	vld [tilespmem:s14+$0x3300];
	s6 =	simm.s32 $0xD00;
	v17 =	vmul.u32 $0x1A, v13;
	v13 =	vmul.u32 $0x1A, v22;
	v22 =	vadd.s32 v33, v36;
	v4 =	vpop (erf)  }
.LBB2_6:
0x9b: {  	[smem:$0x7EC] =	sst s26  }
0x9c: {  	[smem:$0x7EA] =	sst s28  }
0x9d: {  	[dreg:$0x16] =	wrdreg s1  }
0x9e: {  	[dreg:$0x15] =	wrdreg s16  }
0x9f: {  	[dreg:$0x14] =	wrdreg s4  }
0xa0: {  	[dreg:$0xf] =	wrdreg s14  }
0xa1: {  	[dreg:$0xe] =	wrdreg s2;
	s21 =	sadd.s32 $0x700, s21;
	s23 =	sadd.s32 $0x700, s23  }
0xa2: {  	s0 =	smov.u32 s24;
	s14 =	sadd.s32 $0xE0, s24;
	s17 =	rddreg [dreg:$0x4]  }
0xa3: {  	s3 =	sand.u32 $0x3FFFFC00, s7;
	s16 =	rddreg [dreg:$0x5];
	s5 =	sadd.s32 $0xFFFFFF80, s5  }
0xa4: {  	s18 =	sadd.s32 $0x700, s18;
	s9 =	sadd.s32 $0x100, s0;
	s10 =	sadd.s32 $0x110, s0  }
0xa5: {  	s25 =	sadd.s32 $0x170, s0;
	s22 =	sadd.s32 $0x180, s0;
	s28 =	sadd.s32 $0x190, s0  }
0xa6: {  	[dreg:$0x1a] =	wrdreg s3;
	s15 =	sand.u32 $0x3FFFFC00, s21;
	s20 =	sand.u32 $0x3FFFFC00, s23  }
0xa7: {  	v31 =	vld [tilespmem:s1+$0x3300];
	s3 =	smov.u32 s11;
	s11 =	smov.u32 s29;
	s29 =	rddreg [dreg:$0x3]  }
0xa8: {  	v24 =	vld.idx.msk [tilespmem:v24+s19+$0x0], $0xffff;
	s24 =	sand.u32 $0x60, s14;
	s1 =	sand.u32 $0x3FFFFC00, s18;
	[dreg:$0x1b] =	wrdreg s15  }
0xa9: {  	v25 =	vld.idx.msk [tilespmem:v25+s19+$0x0], $0xffff;
	[dreg:$0x1c] =	wrdreg s20;
	s19 =	sand.u32 $0x60, s9;
	s26 =	sand.u32 $0x70, s10  }
0xaa: {  	s15 =	sand.u32 $0x70, s25;
	s25 =	rddreg [dreg:$0x9];
	s0 =	sadd.s32 s5, s29  }
0xab: {  	s9 =	sand.u32 $0x60, s22;
	s22 =	sor.u32 s25, s24;
	s10 =	sshra.s32 s0, $0x2;
	v20 =	vadd.s32 v30, v20;
	v30 =	vld [tilespmem:s4+$0x3300]  }
0xac: {  	v19 =	vadd.s32 v27, v19;
	v27 =	vld [tilespmem:s2+$0x3300];
	s4 =	sand.u32 $0x3FFFFC00, s8;
	[dreg:$0x17] =	wrdreg s22;
	s22 =	sadd.s32 s10, s1  }
0xad: {  	[smem:$0x7EB] =	sst s4;
	s4 =	simm.s32 $0x0;
	v12 =	vmul.f32 v12, v24;
	v24 =	vld [tilespmem:s22+$0x6350]  }
0xae: {  	s29 =	sadd.s32 $0xFFFFFB00, s18;
	s20 =	sadd.s32 $0xFFFFFE00, s18;
	s0 =	smov.u32 s21;
	v11 =	vmul.f32 v11, v25;
	v23 =	vld.idx.msk [tilespmem:v23+s4+$0x0], $0xffff  }
0xaf: {  	s21 =	sadd.s32 $0xFFFFFE80, s18;
	s20 =	sand.u32 $0x3C00, s20;
	s2 =	sand.u32 $0x3FFFFC00, s6;
	v22 =	vld.idx.msk [tilespmem:v22+s4+$0x0], $0xffff  }
0xb0: {  	v18 =	vadd.s32 v26, v18;
	s1 =	smov.u32 s23;
	s23 =	sadd.s32 $0xFFFFFF00, s18;
	[dreg:$0x19] =	wrdreg s2;
	v21 =	vld.idx.msk [tilespmem:v21+s4+$0x0], $0xffff;
	[tilespmem:s13+$0x9340] =	vst v11  }
0xb1: {  	s2 =	smov.u32 s14;
	s14 =	sand.u32 $0x70, s28;
	v11 =	vld [tilespmem:s22+$0x350];
	[tilespmem:s12+$0x9350] =	vst v12;
	s12 =	sadd.s32 $0xFFFFF980, s18  }
0xb2: {  	v17 =	vadd.s32 v29, v17;
	s13 =	sand.u32 $0x3C00, s29;
	s29 =	rddreg [dreg:$0xb];
	v12 =	vld [tilespmem:s22+$0x3350];
	s12 =	sand.u32 $0x1C00, s12  }
0xb3: {  	v16 =	vadd.s32 v28, v16;
	s28 =	sadd.s32 $0xFFFFFA80, s18;
	s20 =	sadd.s32 s29, s20;
	v20 =	vld.idx.msk [tilespmem:v20+s4+$0x0], $0xffff;
	s16 =	sadd.s32 s16, s12  }
0xb4: {  	v19 =	vld.idx.msk [tilespmem:v19+s4+$0x0], $0xffff;
	s15 =	sor.u32 s15, s20;
	s20 =	sadd.s32 s29, s12;
	s12 =	rddreg [dreg:$0x1b]  }
0xb5: {  	s23 =	sand.u32 $0x3C00, s23;
	s28 =	sand.u32 $0x3C00, s28;
	v15 =	vadd.s32 v30, v15;
	v18 =	vld.idx.msk [tilespmem:v18+s4+$0x0], $0xffff;
	s12 =	sadd.s32 s10, s12;
	v5 =	vmul.f32 v5, v23  }
0xb6: {  	s21 =	sand.u32 $0x3C00, s21;
	s28 =	sadd.s32 s29, s28;
	s23 =	sadd.s32 s29, s23;
	v13 =	vadd.s32 v27, v13;
	v10 =	vmul.f32 v10, v22;
	v26 =	vld [tilespmem:s12+$0x3350]  }
0xb7: {  	v14 =	vadd.s32 v31, v14;
	s14 =	sor.u32 s14, s23;
	s23 =	smov.u32 s1;
	s1 =	rddreg [dreg:$0x1a];
	[tilespmem:s31+$0x9360] =	vst v5;
	v5 =	vld.idx.msk [tilespmem:v17+s4+$0x0], $0xffff  }
0xb8: {  	s13 =	sadd.s32 s29, s13;
	s21 =	sadd.s32 s29, s21;
	s29 =	sadd.s32 s10, s1;
	[tilespmem:s11+$0x9370] =	vst v10;
	v10 =	vld.idx.msk [tilespmem:v16+s4+$0x0], $0xffff;
	v8 =	vmul.f32 v8, v20  }
0xb9: {  	s26 =	sor.u32 s26, s13;
	s13 =	rddreg [dreg:$0x19];
	v7 =	vmul.f32 v7, v19;
	v32 =	vld [tilespmem:s29+$0x3370]  }
0xba: {  	s11 =	sld [smem:$0x7EA];
	[tilespmem:s30+$0x9300] =	vst v8;
	v8 =	vld.idx.msk [tilespmem:v15+s4+$0x0], $0xffff  }
0xbb: {  	s19 =	sor.u32 s19, s28;
	s28 =	sadd.s32 s10, s13;
	s13 =	rddreg [dreg:$0x1c];
	v9 =	vmul.f32 v9, v21;
	[tilespmem:s3+$0x9300] =	vst v7;
	v7 =	vld.idx.msk [tilespmem:v13+s4+$0x0], $0xffff  }
0xbc: {  	s17 =	sor.u32 s17, s24;
	s13 =	sadd.s32 s10, s13;
	s3 =	sld [smem:$0x7EB];
	v13 =	vld.idx.msk [tilespmem:v14+s4+$0x0], $0xffff  }
0xbd: {  	[tilespmem:s11+$0x9340] =	vst v9;
	v9 =	vsub.f32 $0.0e+00, v24;
	s11 =	sld [smem:$0x7EC];
	s30 =	sor.u32 s20, s17;
	v24 =	vld [tilespmem:s13+$0x3340]  }
0xbe: {  	v6 =	vmul.f32 v6, v18;
	v14 =	vld [tilespmem:s30+$0x300]  }
0xbf: {  	s9 =	sor.u32 s9, s21;
	v33 =	vld [tilespmem:s28+$0x3340];
	s31 =	sadd.s32 s10, s3  }
0xc0: {  	s26 =	sor.u32 s25, s26;
	s1 =	sor.u32 s24, s16;
	s24 =	smov.u32 s2;
	v11 =	vmul.u32 $0x1A, v11;
	v9 =	vmul.f32 $1.442695020e+00, v9;
	[tilespmem:s11+$0x9300] =	vst v6;
	v6 =	vld [tilespmem:s31+$0x6360]  }
0xc1: {  	s2 =	sor.u32 s25, s9;
	s9 =	rddreg [dreg:$0x17];
	s17 =	sor.u32 s25, s15;
	v3 =	vmul.f32 v3, v5;
	v5 =	vld [tilespmem:s13+$0x6340]  }
0xc2: {  	v11 =	vadd.s32 v12, v11;
	v0 =	vmul.f32 v0, v10;
	s11 =	sor.u32 s25, s19;
	s3 =	sor.u32 s25, s14;
	s25 =	rddreg [dreg:$0x15];
	(erf) = vpow2.f32 v9;
	v9 =	vld [tilespmem:s12+$0x6350]  }
0xc3: {  	s15 =	rddreg [dreg:$0xf];
	[tilespmem:s25+$0x9300] =	vst v3;
	v3 =	vld [tilespmem:s29+$0x6370];
	v1 =	vmul.f32 v1, v8  }
0xc4: {  	s14 =	smov.u32 s17;
	s17 =	rddreg [dreg:$0x14];
	[tilespmem:s15+$0x9300] =	vst v0;
	v8 =	vld [tilespmem:s28+$0x6340];
	v0 =	vmul.f32 v2, v7  }
0xc5: {  	s10 =	sor.u32 s20, s9;
	s20 =	rddreg [dreg:$0xe];
	[tilespmem:s17+$0x9300] =	vst v1;
	v1 =	vld [tilespmem:s30+$0x6300];
	v2 =	vsub.f32 $0.0e+00, v6  }
0xc6: {  	s19 =	simm.s32 $0x0;
	v4 =	vmul.f32 v4, v13;
	v5 =	vsub.f32 $0.0e+00, v5;
	[tilespmem:s20+$0x9300] =	vst v0;
	v0 =	vld [tilespmem:s11+$0x6300]  }
0xc7: {  	s25 =	rddreg [dreg:$0x16];
	v6 =	vld.idx.msk [tilespmem:v11+s19+$0x0], $0xffff;
	v7 =	vsub.f32 $0.0e+00, v9;
	v2 =	vmul.f32 $1.442695020e+00, v2  }
0xc8: {  	s16 =	smov.u32 s1;
	[tilespmem:s25+$0x9300] =	vst v4;
	v4 =	vld [tilespmem:s26+$0x6300];
	v10 =	vmul.f32 $1.442695020e+00, v5;
	v3 =	vsub.f32 $0.0e+00, v3  }
0xc9: {  	v9 =	vld [tilespmem:s16+$0x6300];
	v8 =	vsub.f32 $0.0e+00, v8;
	v7 =	vmul.f32 $1.442695020e+00, v7;
	(erf) = vpow2.f32 v2  }
0xca: {  	s4 =	smov.u32 s2;
	v2 =	vmul.f32 $1.442695020e+00, v3;
	v3 =	vld [tilespmem:s14+$0x6300];
	(erf) = vpow2.f32 v10  }
0xcb: {  	s2 =	smov.u32 s3;
	v1 =	vsub.f32 $0.0e+00, v1;
	v8 =	vmul.f32 $1.442695020e+00, v8;
	v5 =	vpop (erf);
	v10 =	vld [tilespmem:s4+$0x6300]  }
0xcc: {  	s1 =	smov.u32 s10;
	v0 =	vsub.f32 $0.0e+00, v0;
	v5 =	vmul.f32 v5, v6;
	v6 =	vld [tilespmem:s2+$0x6300];
	(erf) = vpow2.f32 v7  }
0xcd: {  	v4 =	vsub.f32 $0.0e+00, v4;
	v1 =	vmul.f32 $1.442695020e+00, v1;
	v7 =	vld [tilespmem:s1+$0x6300];
	(erf) = vpow2.f32 v2  }
0xce: {  	v0 =	vmul.f32 $1.442695020e+00, v0;
	[tilespmem:s22+$0x9350] =	vst v5;
	v2 =	vld [tilespmem:s13+$0x340];
	v5 =	vsub.f32 $0.0e+00, v9;
	(erf) = vpow2.f32 v8  }
0xcf: {  	v29 =	vld [tilespmem:s31+$0x3360];
	v4 =	vmul.f32 $1.442695020e+00, v4;
	v3 =	vsub.f32 $0.0e+00, v3;
	(erf) = vpow2.f32 v1  }
0xd0: {  	v13 =	vld [tilespmem:s28+$0x340];
	v9 =	vmul.f32 $1.442695020e+00, v5;
	v10 =	vsub.f32 $0.0e+00, v10;
	(erf) = vpow2.f32 v0  }
0xd1: {  	v8 =	vld [tilespmem:s12+$0x350];
	v6 =	vsub.f32 $0.0e+00, v6;
	v3 =	vmul.f32 $1.442695020e+00, v3;
	(erf) = vpow2.f32 v4  }
0xd2: {  	v0 =	vld [tilespmem:s29+$0x370];
	v4 =	vsub.f32 $0.0e+00, v7;
	v7 =	vmul.f32 $1.442695020e+00, v10;
	v5 =	vpop (erf);
	(erf) = vpow2.f32 v9  }
0xd3: {  	v1 =	vld [tilespmem:s31+$0x360];
	v21 =	vmul.u32 $0x1A, v2;
	v2 =	vmul.f32 $1.442695020e+00, v6;
	v11 =	vpop (erf);
	(erf) = vpow2.f32 v3  }
0xd4: {  	v6 =	vld [tilespmem:s26+$0x300];
	v3 =	vmul.f32 $1.442695020e+00, v4;
	(erf) = vpow2.f32 v7  }
0xd5: {  	v4 =	vld [tilespmem:s11+$0x300];
	v12 =	vpop (erf);
	(erf) = vpow2.f32 v2  }
0xd6: {  	v20 =	vmul.u32 $0x1A, v14;
	v14 =	vld [tilespmem:s1+$0x300];
	v10 =	vpop (erf);
	(erf) = vpow2.f32 v3  }
0xd7: {  	v28 =	vmul.u32 $0x1A, v0;
	v0 =	vld [tilespmem:s16+$0x300];
	v9 =	vpop (erf)  }
0xd8: {  	v22 =	vmul.u32 $0x1A, v8;
	v23 =	vmul.u32 $0x1A, v1;
	v1 =	vld [tilespmem:s14+$0x300];
	v8 =	vpop (erf)  }
0xd9: {  	v2 =	vld [tilespmem:s4+$0x300];
	v7 =	vpop (erf)  }
0xda: {  	p1 =	slt.u32 s24, $0x1C0;
	v18 =	vmul.u32 $0x1A, v6;
	v19 =	vmul.u32 $0x1A, v4;
	v4 =	vld [tilespmem:s2+$0x300];
	v6 =	vpop (erf)  }
.Ltmp1:
0xdb: {  	v30 =	vld [tilespmem:s30+$0x3300];
	v3 =	vpop (erf);
	(pc) =	sbr.rel @p1 .LBB2_6-.Ltmp1, $4  }
0xdc: {  	v27 =	vld [tilespmem:s11+$0x3300];
	v31 =	vmul.u32 $0x1A, v13;
	v17 =	vmul.u32 $0x1A, v0;
	v0 =	vpop (erf)  }
0xdd: {  	v25 =	vadd.s32 v24, v21;
	v24 =	vadd.s32 v26, v22;
	v26 =	vld [tilespmem:s26+$0x3300];
	v16 =	vmul.u32 $0x1A, v1;
	v1 =	vpop (erf)  }
0xde: {  	s7 =	sadd.s32 $0x700, s7;
	v14 =	vmul.u32 $0x1A, v14;
	v23 =	vadd.s32 v29, v23;
	v29 =	vld [tilespmem:s16+$0x3300];
	v15 =	vmul.u32 $0x1A, v2;
	v2 =	vpop (erf)  }
0xdf: {  	s6 =	sadd.s32 $0x700, s6;
	s8 =	sadd.s32 $0x700, s8;
	s21 =	smov.u32 s0;
	v21 =	vadd.s32 v33, v31;
	v22 =	vadd.s32 v32, v28;
	v28 =	vld [tilespmem:s14+$0x3300];
	v13 =	vmul.u32 $0x1A, v4;
	v4 =	vpop (erf)  }
0xe0: {  	_ = 	snop  }
0xe1: {  	v31 =	vld [tilespmem:s4+$0x3300]  }
0xe2: {  	v32 =	vld [tilespmem:s2+$0x3300]  }
0xe3: {  	v33 =	vld [tilespmem:s1+$0x3300]  }
0xe4: {  	v20 =	vadd.s32 v30, v20;
	v25 =	vld.idx.msk [tilespmem:v25+s19+$0x0], $0xffff  }
0xe5: {  	v24 =	vld.idx.msk [tilespmem:v24+s19+$0x0], $0xffff;
	v19 =	vadd.s32 v27, v19  }
0xe6: {  	v23 =	vld.idx.msk [tilespmem:v23+s19+$0x0], $0xffff;
	v18 =	vadd.s32 v26, v18  }
0xe7: {  	v22 =	vld.idx.msk [tilespmem:v22+s19+$0x0], $0xffff;
	v17 =	vadd.s32 v29, v17  }
0xe8: {  	v21 =	vld.idx.msk [tilespmem:v21+s19+$0x0], $0xffff;
	v16 =	vadd.s32 v28, v16  }
0xe9: {  	v15 =	vadd.s32 v31, v15;
	v20 =	vld.idx.msk [tilespmem:v20+s19+$0x0], $0xffff;
	v11 =	vmul.f32 v11, v25  }
0xea: {  	v13 =	vadd.s32 v32, v13;
	v12 =	vmul.f32 v12, v24;
	v19 =	vld.idx.msk [tilespmem:v19+s19+$0x0], $0xffff  }
0xeb: {  	v14 =	vadd.s32 v33, v14;
	v5 =	vmul.f32 v5, v23;
	v18 =	vld.idx.msk [tilespmem:v18+s19+$0x0], $0xffff;
	[tilespmem:s13+$0x9340] =	vst v11  }
0xec: {  	v10 =	vmul.f32 v10, v22;
	[tilespmem:s12+$0x9350] =	vst v12;
	v54 =	vld.idx.msk [tilespmem:v17+s19+$0x0], $0xffff  }
0xed: {  	v55 =	vmul.f32 v9, v21;
	[tilespmem:s31+$0x9360] =	vst v5;
	v56 =	vld.idx.msk [tilespmem:v16+s19+$0x0], $0xffff  }
0xee: {  	[tilespmem:s29+$0x9370] =	vst v10;
	v8 =	vmul.f32 v8, v20;
	v57 =	vld.idx.msk [tilespmem:v15+s19+$0x0], $0xffff  }
0xef: {  	[tilespmem:s28+$0x9340] =	vst v55;
	v58 =	vld.idx.msk [tilespmem:v13+s19+$0x0], $0xffff;
	v7 =	vmul.f32 v7, v19  }
0xf0: {  	v59 =	vld.idx.msk [tilespmem:v14+s19+$0x0], $0xffff;
	[tilespmem:s30+$0x9300] =	vst v8;
	v6 =	vmul.f32 v6, v18  }
0xf1: {  	[tilespmem:s11+$0x9300] =	vst v7;
	v3 =	vmul.f32 v3, v54  }
0xf2: {  	[tilespmem:s26+$0x9300] =	vst v6;
	v0 =	vmul.f32 v0, v56  }
0xf3: {  	[tilespmem:s16+$0x9300] =	vst v3;
	v1 =	vmul.f32 v1, v57  }
0xf4: {  	v60 =	vmul.f32 v2, v58;
	[tilespmem:s14+$0x9300] =	vst v0  }
0xf5: {  	v61 =	vmul.f32 v4, v59;
	[tilespmem:s4+$0x9300] =	vst v1  }
0xf6: {  	[tilespmem:s2+$0x9300] =	vst v60  }
0xf7: {  	[tilespmem:s1+$0x9300] =	vst v61  }
0xf8: {  	s0 =	rddreg [dreg:$0x9]  }
0xf9: {  	s1 =	rddreg [dreg:$0xb]  }
0xfa: {  	s0 =	sadd.s32 s0, s1  }
0xfb: {  	v0 =	vld [tilespmem:s0+$0x7714];
	_ =	sdelay $0x1  }
0xfc: {  	v1 =	vld [tilespmem:s0+$0x1714];
	_ =	sdelay $0x1  }
0xfd: {  	v2 =	vld [tilespmem:s0+$0x4714]  }
0xfe: {  	v0 =	vsub.f32 $0.0e+00, v0;
	_ =	sdelay $0x1  }
0xff: {  	v1 =	vmul.u32 $0x1A, v1;
	v0 =	vmul.f32 $1.442695020e+00, v0;
	_ =	sdelay $0x1  }
0x100: {  	v1 =	vadd.s32 v2, v1;
	(erf) = vpow2.f32 v0;
	_ =	sdelay $0x2  }
0x101: {  	s31 =	sld [smem:$0x7ED];
	_ =	sdelay $0x1  }
0x102: {  	v62 =	vld.idx.msk [tilespmem:v1+s19+$0x0], $0xffff  }
0x103: {  	s1 =	sadd.s32 $0x1, s31  }
0x104: {  	p1 =	sne.s32 s1, $0x10  }
.Ltmp2:
0x105: {  	_ = 	snop;
	(pc) =	sbr.rel @p1 .LBB2_5-.Ltmp2, $3  }
0x106: {  	s2 =	sld [smem:$0x7EE];
	v63 =	vpop (erf)  }
0x107: {  	v0 =	vmul.f32 v63, v62;
	_ =	sdelay $0x1  }
0x108: {  	s2 =	sadd.s32 $0x1, s2;
	[tilespmem:s0+$0xA714] =	vst v0  }
0x109: {  	s0 =	sld [smem:$0x7FB]  }
0x10a: {  	s2 =	sld [smem:$0x7EF]  }
0x10b: {  	s1 =	sld [smem:$0x7F1];
	_ =	sdelay $0x1  }
0x10c: {  	s29 =	sld [smem:$0x7F3];
	s0 =	sor.u32 s0, s2  }
0x10d: {  	p1 =	seq.s32 s1, $0xF;
	s1 =	sld [smem:$0x7FC];
	s0 =	sshrl.u32 s0, $0x3  }
0x10e: {  	s0 =	smul.u32 $0x300, s0;
	_ =	sdelay $0x1  }
0x10f: {  	s30 =	simm.s32 $0x9300;
	s1 =	sadd.s32 @!p1 s2, s1;
	s0 =	sadd.s32 s29, s0  }
0x110: {  	[hbm4b:s0+s19] =	stream.linear.scatter [tilespmem:s30], [sflag:$0x3], $0x3000, $0x38;
	[tilespmem:$0x18300] =	vst v63  }
0x111: {  	s1 =	sshrl.u32 @!p1 s1, $0x3;
	s0 =	sld [smem:$0x7F4]  }
0x112: {  	s1 =	smul.u32 @!p1 $0x300, s1;
	_ =	sdelay $0x1  }
0x113: {  	s3 =	simm.s32 @!p1 $0x300;
	s2 =	simm.s32 @!p1 $0x0;
	s0 =	sadd.s32 @!p1 s0, s1  }
0x114: {  	[tilespmem:s3], [sflag:$0x1] =	stream.linear.gather @!p1 [hbm4b:s0+s2], $0x3000, $0x38;
	[tilespmem:$0x18300] =	vst v63  }
0x115: {  	s0 =	sld [smem:$0x7F6];
	_ =	sdelay $0x2  }
0x116: {  	s3 =	simm.s32 @!p1 $0x3300;
	s0 =	sadd.s32 @!p1 s0, s1  }
0x117: {  	[tilespmem:s3], [sflag:$0x1] =	stream.linear.gather @!p1 [hbm4b:s0+s2], $0x3000, $0x38;
	[tilespmem:$0x18300] =	vst v63  }
0x118: {  	s0 =	sld [smem:$0x7F8];
	_ =	sdelay $0x2  }
0x119: {  	s31 =	simm.s32 $0x2;
	s0 =	sadd.s32 @!p1 s0, s1;
	s1 =	simm.s32 @!p1 $0x6300  }
0x11a: {  	[tilespmem:s1], [sflag:$0x1] =	stream.linear.gather @!p1 [hbm4b:s0+s2], $0x3000, $0x38;
	[tilespmem:$0x18300] =	vst v63  }
0x11b: {  	_ =	swait.ge [sflag:s31], $0x3000  }
0x11c: {  	[sflag:s31] =	ssyncset.done $0x0  }
0x11d: {  	[sflag:s31] =	ssyncadd.s32 $0xFFFFD000  }
0x11e: {  	_ =	swait.ge [sflag:s31], $0x3000  }
0x11f: {  	[sflag:s31] =	ssyncset.done $0x0  }
0x120: {  	[sflag:s31] =	ssyncadd.s32 $0xFFFFD000  }
0x121: {  	_ =	swait.ge [sflag:s31], $0x3000  }
0x122: {  	[sflag:s31] =	ssyncset.done $0x0  }
0x123: {  	s0 =	simm.s32 @!p0 $0x4;
	[sflag:s31] =	ssyncadd.s32 $0xFFFFD000  }
0x124: {  	_ =	swait.ge @!p0 [sflag:s0], $0x3000  }
0x125: {  	[sflag:s0] =	ssyncset.done @!p0 $0x0  }
0x126: {  	s2 =	simm.s32 $0x0;
	s1 =	simm.s32 $0x0;
	[sflag:s0] =	ssyncadd.s32 @!p0 $0xFFFFD000  }
.LBB2_9:
0x127: {  	s0 =	sshrl.u32 s1, $0x3;
	[smem:$0x7E8] =	sst s1;
	s7 =	sshll.u32 s1, $0x7  }
0x128: {  	[smem:$0x7E9] =	sst s2;
	s8 =	sand.u32 $0x7, s2;
	s17 =	simm.s32 $0x680  }
0x129: {  	s16 =	simm.s32 $0x600;
	s18 =	simm.s32 $0x380;
	s22 =	simm.s32 $0x300  }
0x12a: {  	s21 =	simm.s32 $0x280;
	s31 =	simm.s32 $0x200;
	s24 =	simm.s32 $0x0  }
0x12b: {  	s5 =	simm.s32 $0x20;
	s23 =	simm.s32 $0x30;
	s25 =	simm.s32 $0x100  }
0x12c: {  	s26 =	simm.s32 $0x180;
	s30 =	simm.s32 $0x0;
	s3 =	smul.u32 $0x6000, s0  }
0x12d: {  	s11 =	sand.u32 $0x380, s7;
	s9 =	sshll.u32 s8, $0x9;
	s20 =	smul.u32 $0x1800, s0  }
0x12e: {  	s4 =	sand.u32 $0x3FFFFC00, s17;
	s7 =	simm.s32 $0x90;
	s12 =	sor.u32 s3, s9  }
0x12f: {  	s0 =	sand.u32 $0x3FFFFC00, s16;
	s2 =	sand.u32 $0x3FFFFC00, s18;
	[dreg:$0x6] =	wrdreg s12  }
0x130: {  	s5 =	sand.u32 $0x60, s5;
	s16 =	sand.u32 $0x70, s23;
	s15 =	rddreg [dreg:$0x6]  }
0x131: {  	s10 =	sor.u32 $0x10, s11;
	s13 =	sor.u32 s11, s20;
	s1 =	sadd.s32 $0x0, s15  }
0x132: {  	[dreg:$0x7] =	wrdreg s10;
	s14 =	sor.u32 $0x400, s13;
	s1 =	sshra.s32 s1, $0x2  }
0x133: {  	s18 =	sand.u32 $0x3C00, s25;
	[dreg:$0x8] =	wrdreg s14;
	s6 =	sadd.s32 s1, s4  }
0x134: {  	s23 =	simm.s32 $0x580;
	s7 =	sand.u32 $0x70, s7;
	s18 =	sadd.s32 s20, s18;
	v0 =	vld [tilespmem:s6+$0xC350]  }
0x135: {  	s9 =	simm.s32 $0xA0;
	s10 =	simm.s32 $0xB0;
	s5 =	sor.u32 s5, s18  }
0x136: {  	s3 =	sand.u32 $0x3FFFFC00, s22;
	s22 =	simm.s32 $0x500;
	s25 =	sor.u32 s11, s5;
	v1 =	vld [tilespmem:s6+$0xF350]  }
0x137: {  	s8 =	rddreg [dreg:$0x7];
	s12 =	sand.u32 $0x3FFFFC00, s21;
	s13 =	sand.u32 $0x3FFFFC00, s31;
	v8 =	vld [tilespmem:s25+$0x12300]  }
0x138: {  	s18 =	sand.u32 $0x1C00, s30;
	s15 =	sand.u32 $0x60, s24;
	s4 =	sadd.s32 s1, s3;
	v2 =	vld [tilespmem:s6+$0x12350]  }
0x139: {  	s8 =	sor.u32 s8, s15;
	s3 =	sand.u32 $0x3C00, s26;
	s12 =	sadd.s32 s1, s12;
	v3 =	vld [tilespmem:s4+$0x12360];
	v0 =	vmul.u32 $0x1A, v0  }
0x13a: {  	s13 =	sadd.s32 s1, s13;
	s28 =	sadd.s32 s1, s2;
	v4 =	vld [tilespmem:s12+$0x12350];
	s3 =	sadd.s32 s20, s3  }
0x13b: {  	s26 =	sadd.s32 s1, s0;
	v5 =	vld [tilespmem:s28+$0x12370];
	s1 =	sor.u32 s16, s3;
	s3 =	sadd.s32 s20, s18;
	v0 =	vadd.s32 v1, v0  }
0x13c: {  	s9 =	sand.u32 $0x60, s9;
	s10 =	sand.u32 $0x70, s10;
	v6 =	vld [tilespmem:s26+$0x12340];
	s29 =	sor.u32 s3, s8  }
0x13d: {  	s30 =	sand.u32 $0x3C00, s22;
	s14 =	rddreg [dreg:$0x8];
	s2 =	simm.s32 $0x480;
	v7 =	vld [tilespmem:s29+$0x12300]  }
0x13e: {  	s0 =	sand.u32 $0x3C00, s2;
	s2 =	sadd.s32 s14, s18;
	s18 =	sor.u32 s11, s1;
	v1 =	vld [tilespmem:s13+$0x12340]  }
0x13f: {  	s14 =	sadd.s32 s20, s30;
	s0 =	sadd.s32 s20, s0;
	s16 =	sor.u32 s15, s2;
	v9 =	vld [tilespmem:s18+$0x12300]  }
0x140: {  	s0 =	sor.u32 s7, s0;
	s8 =	sand.u32 $0x3C00, s23;
	v0 =	vld.idx.msk [tilespmem:v0+s19+$0x0], $0xffff;
	[dreg:$0xc] =	wrdreg s20  }
0x141: {  	s22 =	sor.u32 s9, s14;
	s1 =	sadd.s32 s20, s8;
	s14 =	sor.u32 s11, s0;
	v2 =	vsub.f32 $0.0e+00, v2;
	v10 =	vld [tilespmem:s16+$0x12300]  }
0x142: {  	s23 =	sor.u32 s10, s1;
	s10 =	sor.u32 s11, s22;
	v3 =	vsub.f32 $0.0e+00, v3;
	v11 =	vld [tilespmem:s14+$0x12300];
	[dreg:$0xa] =	wrdreg s11  }
0x143: {  	s30 =	sor.u32 s11, s15;
	s2 =	sor.u32 s11, s23;
	v2 =	vmul.f32 $1.442695020e+00, v2;
	v1 =	vsub.f32 $0.0e+00, v1;
	v12 =	vld [tilespmem:s10+$0x12300]  }
0x144: {  	s1 =	sor.u32 s3, s30;
	v3 =	vmul.f32 $1.442695020e+00, v3;
	v13 =	vld [tilespmem:s2+$0x12300]  }
0x145: {  	v4 =	vsub.f32 $0.0e+00, v4;
	(erf) = vpow2.f32 v2;
	v14 =	vld [tilespmem:s1+$0x12300];
	v1 =	vmul.f32 $1.442695020e+00, v1  }
0x146: {  	v2 =	vsub.f32 $0.0e+00, v5;
	v5 =	vsub.f32 $0.0e+00, v6;
	(erf) = vpow2.f32 v3;
	v15 =	vld [tilespmem:s13+$0xC340]  }
0x147: {  	v4 =	vmul.f32 $1.442695020e+00, v4;
	v3 =	vld [tilespmem:s12+$0xC350];
	(erf) = vpow2.f32 v1;
	v1 =	vsub.f32 $0.0e+00, v7  }
0x148: {  	v2 =	vmul.f32 $1.442695020e+00, v2;
	v5 =	vmul.f32 $1.442695020e+00, v5;
	v6 =	vld [tilespmem:s4+$0xC360];
	v7 =	vsub.f32 $0.0e+00, v8  }
0x149: {  	v16 =	vld [tilespmem:s29+$0xC300];
	v8 =	vsub.f32 $0.0e+00, v9;
	(erf) = vpow2.f32 v4;
	v1 =	vmul.f32 $1.442695020e+00, v1  }
0x14a: {  	v17 =	vld [tilespmem:s18+$0xC300];
	(erf) = vpow2.f32 v2;
	v7 =	vmul.f32 $1.442695020e+00, v7  }
0x14b: {  	v21 =	vld [tilespmem:s10+$0xC300];
	v9 =	vsub.f32 $0.0e+00, v10;
	(erf) = vpow2.f32 v5;
	v5 =	vmul.f32 $1.442695020e+00, v8  }
0x14c: {  	v22 =	vld [tilespmem:s2+$0xC300];
	v8 =	vsub.f32 $0.0e+00, v11;
	v10 =	vsub.f32 $0.0e+00, v12;
	(erf) = vpow2.f32 v1  }
0x14d: {  	v23 =	vld [tilespmem:s1+$0xC300];
	v12 =	vsub.f32 $0.0e+00, v14;
	v9 =	vmul.f32 $1.442695020e+00, v9;
	(erf) = vpow2.f32 v7  }
0x14e: {  	v24 =	vld [tilespmem:s13+$0xF340];
	v7 =	vmul.f32 $1.442695020e+00, v8;
	v8 =	vsub.f32 $0.0e+00, v13;
	(erf) = vpow2.f32 v5  }
0x14f: {  	v28 =	vld [tilespmem:s12+$0xF350];
	v18 =	vpop (erf);
	v10 =	vmul.f32 $1.442695020e+00, v10;
	(erf) = vpow2.f32 v9  }
0x150: {  	v29 =	vld [tilespmem:s4+$0xF360];
	v5 =	vpop (erf);
	v8 =	vmul.f32 $1.442695020e+00, v8;
	(erf) = vpow2.f32 v7  }
0x151: {  	v32 =	vld [tilespmem:s28+$0xF370];
	v7 =	vmul.f32 $1.442695020e+00, v12;
	v11 =	vpop (erf);
	(erf) = vpow2.f32 v10  }
0x152: {  	v4 =	vld [tilespmem:s28+$0xC370];
	v12 =	vpop (erf);
	(erf) = vpow2.f32 v8  }
0x153: {  	v2 =	vld [tilespmem:s26+$0xC340];
	(erf) = vpow2.f32 v7;
	v10 =	vpop (erf)  }
0x154: {  	v14 =	vld [tilespmem:s14+$0xC300];
	v9 =	vpop (erf)  }
0x155: {  	v1 =	vld [tilespmem:s25+$0xC300];
	v8 =	vpop (erf)  }
0x156: {  	v35 =	vld [tilespmem:s26+$0xF340];
	v31 =	vmul.f32 v18, v0;
	v7 =	vpop (erf)  }
0x157: {  	v25 =	vmul.u32 $0x1A, v15;
	v33 =	vmul.u32 $0x1A, v3;
	v34 =	vmul.u32 $0x1A, v6;
	v13 =	vld [tilespmem:s16+$0xC300];
	v6 =	vpop (erf)  }
0x158: {  	v30 =	vld [tilespmem:s29+$0xF300];
	v20 =	vmul.u32 $0x1A, v16;
	v18 =	vmul.u32 $0x1A, v17;
	v15 =	vmul.u32 $0x1A, v21;
	v3 =	vpop (erf)  }
0x159: {  	v27 =	vld [tilespmem:s25+$0xF300];
	v25 =	vadd.s32 v24, v25;
	v24 =	vadd.s32 v28, v33;
	v37 =	vmul.u32 $0x1A, v2;
	v0 =	vpop (erf)  }
0x15a: {  	v26 =	vld [tilespmem:s18+$0xF300];
	v36 =	vmul.u32 $0x1A, v4;
	v16 =	vmul.u32 $0x1A, v14;
	v19 =	vmul.u32 $0x1A, v1;
	v1 =	vpop (erf)  }
0x15b: {  	s5 =	simm.s32 $0xD00;
	v28 =	vld [tilespmem:s16+$0xF300];
	v14 =	vmul.u32 $0x1A, v23;
	v23 =	vadd.s32 v29, v34;
	v21 =	vadd.s32 v35, v37;
	v2 =	vpop (erf)  }
0x15c: {  	s7 =	simm.s32 $0xA00;
	s8 =	simm.s32 $0x0;
	[tilespmem:s6+$0x15350] =	vst v31;
	s6 =	simm.s32 $0xA80;
	v29 =	vld [tilespmem:s14+$0xF300];
	v17 =	vmul.u32 $0x1A, v13;
	v13 =	vmul.u32 $0x1A, v22;
	v22 =	vadd.s32 v32, v36;
	v4 =	vpop (erf)  }
.LBB2_10:
0x15d: {  	[smem:$0x7E5] =	sst s25  }
0x15e: {  	[smem:$0x7E4] =	sst s26  }
0x15f: {  	[dreg:$0x12] =	wrdreg s1  }
0x160: {  	[dreg:$0x11] =	wrdreg s2  }
0x161: {  	[dreg:$0x10] =	wrdreg s14  }
0x162: {  	[dreg:$0xd] =	wrdreg s10  }
0x163: {  	s21 =	sadd.s32 $0x700, s21;
	s31 =	sadd.s32 $0x700, s31;
	s0 =	smov.u32 s24  }
0x164: {  	s3 =	sand.u32 $0x3FFFFC00, s6;
	s11 =	sand.u32 $0x3FFFFC00, s7;
	s30 =	smov.u32 s28  }
0x165: {  	s28 =	rddreg [dreg:$0x6];
	s25 =	simm.s32 $0x0;
	s8 =	sadd.s32 $0xFFFFFF80, s8  }
0x166: {  	s17 =	sadd.s32 $0x700, s17;
	s9 =	sadd.s32 $0x100, s0;
	[dreg:$0x1e] =	wrdreg s3  }
0x167: {  	s14 =	sadd.s32 $0x110, s0;
	s26 =	sadd.s32 $0x170, s0;
	[smem:$0x7E6] =	sst s11  }
0x168: {  	v31 =	vld [tilespmem:s1+$0xF300];
	s22 =	sadd.s32 $0x180, s0;
	s15 =	sand.u32 $0x3FFFFC00, s21;
	s11 =	rddreg [dreg:$0xa]  }
0x169: {  	v25 =	vld.idx.msk [tilespmem:v25+s19+$0x0], $0xffff;
	s23 =	sadd.s32 $0x190, s0;
	s20 =	sand.u32 $0x3FFFFC00, s31;
	[dreg:$0x1f] =	wrdreg s15  }
0x16a: {  	v24 =	vld.idx.msk [tilespmem:v24+s19+$0x0], $0xffff;
	s3 =	smov.u32 s18;
	s0 =	sadd.s32 $0xFFFFFA80, s17;
	[smem:$0x7E7] =	sst s20  }
0x16b: {  	v23 =	vld.idx.msk [tilespmem:v23+s25+$0x0], $0xffff;
	s19 =	sand.u32 $0x60, s9;
	s18 =	sand.u32 $0x70, s14;
	s15 =	sand.u32 $0x70, s26  }
0x16c: {  	s9 =	sand.u32 $0x60, s22;
	s14 =	sand.u32 $0x70, s23;
	v20 =	vadd.s32 v30, v20;
	v30 =	vld [tilespmem:s10+$0xF300];
	s10 =	sadd.s32 $0xE0, s24  }
0x16d: {  	v22 =	vld.idx.msk [tilespmem:v22+s25+$0x0], $0xffff;
	s23 =	sadd.s32 s8, s28;
	s26 =	sand.u32 $0x3FFFFC00, s17;
	s24 =	sand.u32 $0x60, s10  }
0x16e: {  	v21 =	vld.idx.msk [tilespmem:v21+s25+$0x0], $0xffff;
	s1 =	smov.u32 s10;
	s10 =	sshra.s32 s23, $0x2;
	s22 =	sor.u32 s11, s24  }
0x16f: {  	v19 =	vadd.s32 v27, v19;
	v27 =	vld [tilespmem:s2+$0xF300];
	s2 =	sand.u32 $0x3FFFFC00, s5;
	v11 =	vmul.f32 v11, v25;
	[dreg:$0x18] =	wrdreg s22;
	s22 =	sadd.s32 s10, s26  }
0x170: {  	s28 =	sadd.s32 $0xFFFFFB00, s17;
	s20 =	sadd.s32 $0xFFFFFE00, s17;
	v18 =	vadd.s32 v26, v18;
	[dreg:$0x1d] =	wrdreg s2;
	v12 =	vmul.f32 v12, v24;
	v24 =	vld [tilespmem:s22+$0x12350]  }
0x171: {  	s20 =	sand.u32 $0x3C00, s20;
	v17 =	vadd.s32 v28, v17;
	s2 =	rddreg [dreg:$0x8];
	s23 =	sadd.s32 $0xFFFFFF00, s17;
	[tilespmem:s13+$0x15340] =	vst v11;
	v11 =	vld [tilespmem:s22+$0xC350]  }
0x172: {  	v16 =	vadd.s32 v29, v16;
	v10 =	vmul.f32 v10, v22;
	s26 =	sand.u32 $0x3C00, s0;
	s13 =	sand.u32 $0x3C00, s28;
	[tilespmem:s12+$0x15350] =	vst v12;
	s28 =	rddreg [dreg:$0xc];
	v12 =	vld [tilespmem:s22+$0xF350]  }
0x173: {  	v5 =	vmul.f32 v5, v23;
	s23 =	sand.u32 $0x3C00, s23;
	s12 =	sadd.s32 $0xFFFFF980, s17;
	s26 =	sadd.s32 s28, s26;
	v20 =	vld.idx.msk [tilespmem:v20+s25+$0x0], $0xffff  }
0x174: {  	s13 =	sadd.s32 s28, s13;
	[tilespmem:s30+$0x15370] =	vst v10;
	s12 =	sand.u32 $0x1C00, s12;
	s30 =	sld [smem:$0x7E4];
	v19 =	vld.idx.msk [tilespmem:v19+s25+$0x0], $0xffff  }
0x175: {  	[tilespmem:s4+$0x15360] =	vst v5;
	s4 =	sld [smem:$0x7E6];
	v18 =	vld.idx.msk [tilespmem:v18+s25+$0x0], $0xffff;
	s19 =	sor.u32 s19, s26;
	s26 =	sadd.s32 s28, s23  }
0x176: {  	v5 =	vld.idx.msk [tilespmem:v17+s25+$0x0], $0xffff;
	s2 =	sadd.s32 s2, s12;
	s23 =	sadd.s32 s28, s12;
	s12 =	rddreg [dreg:$0x1f]  }
0x177: {  	v9 =	vmul.f32 v9, v21;
	v10 =	vld.idx.msk [tilespmem:v16+s25+$0x0], $0xffff;
	s18 =	sor.u32 s18, s13;
	s13 =	sld [smem:$0x7E7];
	s12 =	sadd.s32 s10, s12  }
0x178: {  	s14 =	sor.u32 s14, s26;
	s26 =	rddreg [dreg:$0x1d];
	s4 =	sadd.s32 s10, s4;
	v26 =	vld [tilespmem:s12+$0xF350]  }
0x179: {  	s0 =	smov.u32 s21;
	s21 =	sadd.s32 $0xFFFFFE80, s17;
	v15 =	vadd.s32 v30, v15;
	[tilespmem:s30+$0x15340] =	vst v9;
	s26 =	sadd.s32 s10, s26;
	v29 =	vld [tilespmem:s4+$0xF360]  }
0x17a: {  	s21 =	sand.u32 $0x3C00, s21;
	v13 =	vadd.s32 v27, v13;
	s30 =	rddreg [dreg:$0x1e];
	s13 =	sadd.s32 s10, s13;
	v33 =	vld [tilespmem:s26+$0xF340]  }
0x17b: {  	s20 =	sadd.s32 s28, s20;
	s21 =	sadd.s32 s28, s21;
	s28 =	sadd.s32 s10, s30;
	v9 =	vsub.f32 $0.0e+00, v24;
	v24 =	vld [tilespmem:s13+$0xF340]  }
0x17c: {  	v14 =	vadd.s32 v31, v14;
	s15 =	sor.u32 s15, s20;
	s20 =	sld [smem:$0x7E5];
	v32 =	vld [tilespmem:s28+$0xF370];
	v8 =	vmul.f32 v8, v20  }
0x17d: {  	v7 =	vmul.f32 v7, v19;
	v3 =	vmul.f32 v3, v5;
	v5 =	vld [tilespmem:s13+$0x12340]  }
0x17e: {  	v11 =	vmul.u32 $0x1A, v11;
	v6 =	vmul.f32 v6, v18;
	[tilespmem:s29+$0x15300] =	vst v8;
	v8 =	vld.idx.msk [tilespmem:v15+s25+$0x0], $0xffff  }
0x17f: {  	[dreg:$0x13] =	wrdreg s16;
	v9 =	vmul.f32 $1.442695020e+00, v9;
	[tilespmem:s20+$0x15300] =	vst v7;
	v7 =	vld.idx.msk [tilespmem:v13+s25+$0x0], $0xffff  }
0x180: {  	s16 =	rddreg [dreg:$0x7];
	s9 =	sor.u32 s9, s21;
	s18 =	sor.u32 s11, s18;
	v11 =	vadd.s32 v12, v11;
	[tilespmem:s3+$0x15300] =	vst v6;
	v6 =	vld [tilespmem:s4+$0x12360]  }
0x181: {  	s30 =	sor.u32 s11, s14;
	v13 =	vld.idx.msk [tilespmem:v14+s25+$0x0], $0xffff;
	s25 =	sor.u32 s11, s19;
	s20 =	sor.u32 s24, s2;
	(erf) = vpow2.f32 v9  }
0x182: {  	s2 =	sor.u32 s11, s15;
	s3 =	sor.u32 s11, s9;
	s11 =	rddreg [dreg:$0x13];
	v9 =	vld [tilespmem:s12+$0x12350]  }
0x183: {  	s14 =	rddreg [dreg:$0x18];
	v0 =	vmul.f32 v0, v10;
	[tilespmem:s11+$0x15300] =	vst v3;
	v3 =	vld [tilespmem:s28+$0x12370]  }
0x184: {  	s16 =	sor.u32 s16, s24;
	s19 =	simm.s32 $0x0;
	s15 =	rddreg [dreg:$0x10];
	v1 =	vmul.f32 v1, v8;
	v8 =	vld [tilespmem:s26+$0x12340]  }
0x185: {  	s29 =	sor.u32 s23, s16;
	s16 =	smov.u32 s20;
	[tilespmem:s15+$0x15300] =	vst v0;
	s20 =	rddreg [dreg:$0xd];
	v0 =	vmul.f32 v2, v7;
	v2 =	vsub.f32 $0.0e+00, v6;
	v6 =	vld.idx.msk [tilespmem:v11+s19+$0x0], $0xffff  }
0x186: {  	s9 =	sor.u32 s23, s14;
	s23 =	rddreg [dreg:$0x11];
	v5 =	vsub.f32 $0.0e+00, v5;
	v4 =	vmul.f32 v4, v13;
	[tilespmem:s20+$0x15300] =	vst v1;
	v1 =	vld [tilespmem:s29+$0x12300]  }
0x187: {  	s14 =	smov.u32 s2;
	s2 =	smov.u32 s30;
	s30 =	rddreg [dreg:$0x12];
	v7 =	vsub.f32 $0.0e+00, v9;
	[tilespmem:s23+$0x15300] =	vst v0;
	v0 =	vld [tilespmem:s25+$0x12300];
	v2 =	vmul.f32 $1.442695020e+00, v2  }
0x188: {  	v10 =	vmul.f32 $1.442695020e+00, v5;
	v3 =	vsub.f32 $0.0e+00, v3;
	[tilespmem:s30+$0x15300] =	vst v4;
	v4 =	vld [tilespmem:s18+$0x12300]  }
0x189: {  	v9 =	vld [tilespmem:s16+$0x12300];
	v7 =	vmul.f32 $1.442695020e+00, v7;
	(erf) = vpow2.f32 v2  }
0x18a: {  	s10 =	smov.u32 s3;
	v2 =	vmul.f32 $1.442695020e+00, v3;
	v3 =	vld [tilespmem:s14+$0x12300];
	v8 =	vsub.f32 $0.0e+00, v8;
	(erf) = vpow2.f32 v10;
	v5 =	vpop (erf)  }
0x18b: {  	v10 =	vld [tilespmem:s10+$0x12300];
	v5 =	vmul.f32 v5, v6;
	v1 =	vsub.f32 $0.0e+00, v1  }
0x18c: {  	s24 =	smov.u32 s1;
	s1 =	smov.u32 s9;
	v6 =	vld [tilespmem:s2+$0x12300];
	(erf) = vpow2.f32 v7;
	v8 =	vmul.f32 $1.442695020e+00, v8;
	v0 =	vsub.f32 $0.0e+00, v0  }
0x18d: {  	v7 =	vld [tilespmem:s1+$0x12300];
	v4 =	vsub.f32 $0.0e+00, v4;
	(erf) = vpow2.f32 v2;
	v1 =	vmul.f32 $1.442695020e+00, v1  }
0x18e: {  	v2 =	vld [tilespmem:s13+$0xC340];
	[tilespmem:s22+$0x15350] =	vst v5;
	v5 =	vsub.f32 $0.0e+00, v9;
	v0 =	vmul.f32 $1.442695020e+00, v0;
	(erf) = vpow2.f32 v8  }
0x18f: {  	v14 =	vld [tilespmem:s29+$0xC300];
	v4 =	vmul.f32 $1.442695020e+00, v4;
	v3 =	vsub.f32 $0.0e+00, v3;
	(erf) = vpow2.f32 v1  }
0x190: {  	v13 =	vld [tilespmem:s26+$0xC340];
	v9 =	vmul.f32 $1.442695020e+00, v5;
	v10 =	vsub.f32 $0.0e+00, v10;
	(erf) = vpow2.f32 v0  }
0x191: {  	v8 =	vld [tilespmem:s12+$0xC350];
	v3 =	vmul.f32 $1.442695020e+00, v3;
	v6 =	vsub.f32 $0.0e+00, v6;
	(erf) = vpow2.f32 v4  }
0x192: {  	v0 =	vld [tilespmem:s28+$0xC370];
	v4 =	vsub.f32 $0.0e+00, v7;
	v7 =	vmul.f32 $1.442695020e+00, v10;
	v5 =	vpop (erf);
	(erf) = vpow2.f32 v9  }
0x193: {  	v1 =	vld [tilespmem:s4+$0xC360];
	v21 =	vmul.u32 $0x1A, v2;
	v2 =	vmul.f32 $1.442695020e+00, v6;
	v11 =	vpop (erf);
	(erf) = vpow2.f32 v3  }
0x194: {  	v6 =	vld [tilespmem:s18+$0xC300];
	v3 =	vmul.f32 $1.442695020e+00, v4;
	(erf) = vpow2.f32 v7  }
0x195: {  	v4 =	vld [tilespmem:s25+$0xC300];
	v12 =	vpop (erf);
	(erf) = vpow2.f32 v2  }
0x196: {  	v20 =	vmul.u32 $0x1A, v14;
	v14 =	vld [tilespmem:s1+$0xC300];
	v10 =	vpop (erf);
	(erf) = vpow2.f32 v3  }
0x197: {  	v28 =	vmul.u32 $0x1A, v0;
	v0 =	vld [tilespmem:s16+$0xC300];
	v9 =	vpop (erf)  }
0x198: {  	v22 =	vmul.u32 $0x1A, v8;
	v23 =	vmul.u32 $0x1A, v1;
	v1 =	vld [tilespmem:s14+$0xC300];
	v8 =	vpop (erf)  }
0x199: {  	v2 =	vld [tilespmem:s10+$0xC300];
	v7 =	vpop (erf)  }
0x19a: {  	p0 =	slt.u32 s24, $0x1C0;
	v18 =	vmul.u32 $0x1A, v6;
	v19 =	vmul.u32 $0x1A, v4;
	v4 =	vld [tilespmem:s2+$0xC300];
	v6 =	vpop (erf)  }
.Ltmp3:
0x19b: {  	v30 =	vld [tilespmem:s29+$0xF300];
	v3 =	vpop (erf);
	(pc) =	sbr.rel @p0 .LBB2_10-.Ltmp3, $4  }
0x19c: {  	v27 =	vld [tilespmem:s25+$0xF300];
	v31 =	vmul.u32 $0x1A, v13;
	v17 =	vmul.u32 $0x1A, v0;
	v0 =	vpop (erf)  }
0x19d: {  	v25 =	vadd.s32 v24, v21;
	v24 =	vadd.s32 v26, v22;
	v26 =	vld [tilespmem:s18+$0xF300];
	v16 =	vmul.u32 $0x1A, v1;
	v1 =	vpop (erf)  }
0x19e: {  	s6 =	sadd.s32 $0x700, s6;
	v14 =	vmul.u32 $0x1A, v14;
	v23 =	vadd.s32 v29, v23;
	v29 =	vld [tilespmem:s14+$0xF300];
	v15 =	vmul.u32 $0x1A, v2;
	v2 =	vpop (erf)  }
0x19f: {  	s7 =	sadd.s32 $0x700, s7;
	s5 =	sadd.s32 $0x700, s5;
	s21 =	smov.u32 s0;
	v21 =	vadd.s32 v33, v31;
	v22 =	vadd.s32 v32, v28;
	v28 =	vld [tilespmem:s16+$0xF300];
	v13 =	vmul.u32 $0x1A, v4;
	v4 =	vpop (erf)  }
0x1a0: {  	_ = 	snop  }
0x1a1: {  	v31 =	vld [tilespmem:s10+$0xF300]  }
0x1a2: {  	v32 =	vld [tilespmem:s2+$0xF300]  }
0x1a3: {  	v33 =	vld [tilespmem:s1+$0xF300]  }
0x1a4: {  	v20 =	vadd.s32 v30, v20;
	v25 =	vld.idx.msk [tilespmem:v25+s19+$0x0], $0xffff  }
0x1a5: {  	v24 =	vld.idx.msk [tilespmem:v24+s19+$0x0], $0xffff;
	v19 =	vadd.s32 v27, v19  }
0x1a6: {  	v23 =	vld.idx.msk [tilespmem:v23+s19+$0x0], $0xffff;
	v18 =	vadd.s32 v26, v18  }
0x1a7: {  	v22 =	vld.idx.msk [tilespmem:v22+s19+$0x0], $0xffff;
	v16 =	vadd.s32 v29, v16  }
0x1a8: {  	v21 =	vld.idx.msk [tilespmem:v21+s19+$0x0], $0xffff;
	v17 =	vadd.s32 v28, v17  }
0x1a9: {  	v15 =	vadd.s32 v31, v15;
	v20 =	vld.idx.msk [tilespmem:v20+s19+$0x0], $0xffff;
	v11 =	vmul.f32 v11, v25  }
0x1aa: {  	v13 =	vadd.s32 v32, v13;
	v12 =	vmul.f32 v12, v24;
	v19 =	vld.idx.msk [tilespmem:v19+s19+$0x0], $0xffff  }
0x1ab: {  	v14 =	vadd.s32 v33, v14;
	v5 =	vmul.f32 v5, v23;
	v18 =	vld.idx.msk [tilespmem:v18+s19+$0x0], $0xffff;
	[tilespmem:s13+$0x15340] =	vst v11  }
0x1ac: {  	v10 =	vmul.f32 v10, v22;
	[tilespmem:s12+$0x15350] =	vst v12;
	v56 =	vld.idx.msk [tilespmem:v16+s19+$0x0], $0xffff  }
0x1ad: {  	v55 =	vmul.f32 v9, v21;
	[tilespmem:s4+$0x15360] =	vst v5;
	v54 =	vld.idx.msk [tilespmem:v17+s19+$0x0], $0xffff  }
0x1ae: {  	[tilespmem:s28+$0x15370] =	vst v10;
	v8 =	vmul.f32 v8, v20;
	v57 =	vld.idx.msk [tilespmem:v15+s19+$0x0], $0xffff  }
0x1af: {  	[tilespmem:s26+$0x15340] =	vst v55;
	v58 =	vld.idx.msk [tilespmem:v13+s19+$0x0], $0xffff;
	v7 =	vmul.f32 v7, v19  }
0x1b0: {  	v59 =	vld.idx.msk [tilespmem:v14+s19+$0x0], $0xffff;
	[tilespmem:s29+$0x15300] =	vst v8;
	v6 =	vmul.f32 v6, v18  }
0x1b1: {  	[tilespmem:s25+$0x15300] =	vst v7;
	v0 =	vmul.f32 v0, v56  }
0x1b2: {  	v3 =	vmul.f32 v3, v54;
	[tilespmem:s18+$0x15300] =	vst v6  }
0x1b3: {  	v1 =	vmul.f32 v1, v57;
	[tilespmem:s14+$0x15300] =	vst v0  }
0x1b4: {  	v60 =	vmul.f32 v2, v58;
	[tilespmem:s16+$0x15300] =	vst v3  }
0x1b5: {  	v61 =	vmul.f32 v4, v59;
	[tilespmem:s10+$0x15300] =	vst v1  }
0x1b6: {  	[tilespmem:s2+$0x15300] =	vst v60  }
0x1b7: {  	[tilespmem:s1+$0x15300] =	vst v61  }
0x1b8: {  	s0 =	rddreg [dreg:$0xa]  }
0x1b9: {  	s1 =	rddreg [dreg:$0xc]  }
0x1ba: {  	s0 =	sadd.s32 s0, s1  }
0x1bb: {  	v0 =	vld [tilespmem:s0+$0x13714];
	_ =	sdelay $0x1  }
0x1bc: {  	v1 =	vld [tilespmem:s0+$0xD714];
	_ =	sdelay $0x1  }
0x1bd: {  	v2 =	vld [tilespmem:s0+$0x10714]  }
0x1be: {  	v0 =	vsub.f32 $0.0e+00, v0;
	_ =	sdelay $0x1  }
0x1bf: {  	v1 =	vmul.u32 $0x1A, v1;
	v0 =	vmul.f32 $1.442695020e+00, v0;
	_ =	sdelay $0x1  }
0x1c0: {  	v1 =	vadd.s32 v2, v1;
	(erf) = vpow2.f32 v0;
	_ =	sdelay $0x2  }
0x1c1: {  	s31 =	sld [smem:$0x7E8];
	_ =	sdelay $0x1  }
0x1c2: {  	v62 =	vld.idx.msk [tilespmem:v1+s19+$0x0], $0xffff  }
0x1c3: {  	s1 =	sadd.s32 $0x1, s31  }
0x1c4: {  	p0 =	sne.s32 s1, $0x10  }
.Ltmp4:
0x1c5: {  	_ = 	snop;
	(pc) =	sbr.rel @p0 .LBB2_9-.Ltmp4, $3  }
0x1c6: {  	s2 =	sld [smem:$0x7E9];
	v63 =	vpop (erf)  }
0x1c7: {  	v0 =	vmul.f32 v63, v62;
	_ =	sdelay $0x1  }
0x1c8: {  	s2 =	sadd.s32 $0x1, s2;
	[tilespmem:s0+$0x16714] =	vst v0  }
0x1c9: {  	s2 =	sld [smem:$0x7F1];
	_ =	sdelay $0x2  }
0x1ca: {  	s2 =	sadd.s32 $0x1, s2  }
0x1cb: {  	s0 =	sld [smem:$0x7F3];
	p0 =	sne.s32 s2, $0x10  }
.Ltmp5:
0x1cc: {  	s1 =	sld [smem:$0x7F0];
	(pc) =	sbr.rel @p0 .LBB2_4-.Ltmp5, $3  }
0x1cd: {  	_ =	sdelay $0x1  }
0x1ce: {  	s31 =	simm.s32 $0x15300;
	s0 =	sadd.s32 s0, s1  }
0x1cf: {  	[hbm4b:s0+s19] =	stream.linear.scatter [tilespmem:s31], [sflag:$0x4], $0x3000, $0x38;
	[tilespmem:$0x18300] =	vst v63  }
0x1d0: {  	s0 =	simm.s32 $0x3  }
0x1d1: {  	_ =	swait.ge [sflag:s0], $0x3000  }
0x1d2: {  	[sflag:s0] =	ssyncset.done $0x0  }
0x1d3: {  	s1 =	simm.s32 $0x4;
	[sflag:s0] =	ssyncadd.s32 $0xFFFFD000  }
0x1d4: {  	_ =	swait.ge [sflag:s1], $0x3000  }
0x1d5: {  	s2 =	sld [smem:$0x7F2]  }
0x1d6: {  	s31 =	sld [smem:$0x7FD];
	_ =	sdelay $0x1  }
0x1d7: {  	s2 =	sadd.s32 $0x1, s2  }
0x1d8: {  	p0 =	sne.s32 s2, s31  }
.Ltmp6:
0x1d9: {  	_ = 	snop;
	(pc) =	sbr.rel @p0 .LBB2_1-.Ltmp6, $3  }
0x1da: {  	_ =	sdelay $0x1  }
0x1db: {  	[sflag:s1] =	ssyncset.done $0x0  }
0x1dc: {  	[sflag:s1] =	ssyncadd.s32 $0xFFFFD000  }
0x1dd: {  	_ =	sfence.sel $0x180000  }
0x1de: {  	[bflag:$0x0] =	sbarrier.arrive $0xFFFF  }
0x1df: {  	_ =	strace $0x90000047  }
0x1e0: {  	s0 =	stileid.u32;
	[bflag:$0x2] =	sbarrier.arrive $0xFFFF  }
0x1e1: {  	p0 =	sne.s32 s0, $0x0;
	s0 =	rddreg [dreg:$0x2]  }
0x1e2: {  	s0 =	sadd.s32 @!p0 $0x100000, s0  }
0x1e3: {  	[sflag:s0] =	ssyncadd.tile.s32 @!p0 $0x1;
	_ =	shalt  }
.Lfunc_end2:
_tile_overlayer_lowered:
.L_overlay_start_2:
0x1e4: {  	(tag) =	ssettag $0x2  }
0x1e5: {  	s0 =	rddreg [dreg:$0x0];
	s2 =	stileid.u32  }
0x1e6: {  	s1 =	rddreg [dreg:$0x1];
	p0 =	sne.s32 s2, $0x0  }
0x1e7: {  	s3 =	rddreg [dreg:$0x2];
	[bflag:$0x3] =	sbarrier.arrive $0xFFFF;
	s2 =	simm.s32 @!p0 $0x1C05  }
0x1e8: {  	[timem:s3], [sflag:s2] =	dma.local @!p0 [hbm:s0], s1  }
0x1e9: {  	s0 =	simm.s32 @!p0 $0x5  }
0x1ea: {  	_ =	swait.ge @!p0 [sflag:s0], s1  }
0x1eb: {  	s1 =	ssub.s32 @!p0 $0x0, s1;
	[sflag:s0] =	ssyncset.done @!p0 $0x0  }
0x1ec: {  	[sflag:s0] =	ssyncadd.s32 @!p0 s1  }
0x1ed: {  	[bflag:$0x3] =	sbarrier.arrive $0xFFFF  }
0x1ee: {  	_ =	shalt  }

</sc_bundles>
